<compile_context>
chip_gen: v7x
topology: tpu7x:2x2x1
jax: 0.10.2.dev20260603
libtpu: 0.0.44.dev20260713+nightly
codegen_flags: <defaults>
</compile_context>

<pallas_src>
import functools

import jax
import jax.numpy as jnp
from jax import lax
from jax.experimental import pallas as pl
from jax.experimental.pallas import tpu as pltpu
from jax.experimental.pallas import tpu_sc as plsc

N = 20000
MAX_KEEP = 300
IOU_THR = 0.7
NEG = float("-inf")
NW = 16
NPAD = 20480
SHARD = NPAD // NW
CHUNKS = SHARD // 16
BIG = 2**30

MB_CTR = 0
MB_CAND = 1
MB_BCAST = MB_CAND + 6 * NW
MB_STAMP = MB_BCAST + 6
MB_SIZE = MB_STAMP + 1


def _sc_nms(x1h, y1h, x2h, y2h, sch, keep_h, bx_h,
            vx1, vy1, vx2, vy2, vsc, va, keep_v, bx_v, mb):
    wid = lax.axis_index("s")
    base = wid * SHARD

    @pl.when(wid == 0)
    def _():
        for j in range(MB_SIZE):
            mb[j] = 0

    base8 = base
    pltpu.sync_copy(x1h.at[pl.ds(base8, SHARD)], vx1)
    pltpu.sync_copy(y1h.at[pl.ds(base8, SHARD)], vy1)
    pltpu.sync_copy(x2h.at[pl.ds(base8, SHARD)], vx2)
    pltpu.sync_copy(y2h.at[pl.ds(base8, SHARD)], vy2)
    pltpu.sync_copy(sch.at[pl.ds(base8, SHARD)], vsc)

    lanes = lax.broadcasted_iota(jnp.int32, (16,), 0)

    def area_chunk(c, _):
        off = c * 16
        va[pl.ds(off, 16)] = ((vx2[pl.ds(off, 16)] - vx1[pl.ds(off, 16)])
                              * (vy2[pl.ds(off, 16)] - vy1[pl.ds(off, 16)]))
        return 0

    lax.fori_loop(0, CHUNKS, area_chunk, 0)

    def arrive(target, spin):
        plsc.fetch_and_add(mb.at[MB_CTR], 1, subcore_id=0)

        @pl.when(spin)
        def _():
            lax.while_loop(
                lambda v: v < target,
                lambda v: plsc.fetch_and_add(mb.at[MB_CTR], 0, subcore_id=0),
                jnp.int32(0))

    arrive(NW, True)

    def iter_body(i, carry):
        wx1, wy1, wx2, wy2, wiv, prev = carry
        warea = (wx2 - wx1) * (wy2 - wy1)

        own = (wiv >= base) & (wiv < base + SHARD) & (lanes == 0)
        plsc.store_scatter(vsc, [jnp.clip(wiv - base, 0, SHARD - 1)],
                           jnp.full((16,), NEG, jnp.float32), mask=own)

        def one(off, gi, bs, bi):
            cx1 = vx1[pl.ds(off, 16)]
            cy1 = vy1[pl.ds(off, 16)]
            cx2 = vx2[pl.ds(off, 16)]
            cy2 = vy2[pl.ds(off, 16)]
            s = vsc[pl.ds(off, 16)]
            a = va[pl.ds(off, 16)]
            ix1 = jnp.maximum(wx1, cx1)
            iy1 = jnp.maximum(wy1, cy1)
            ix2 = jnp.minimum(wx2, cx2)
            iy2 = jnp.minimum(wy2, cy2)
            iw = jnp.maximum(ix2 - ix1, 0.0)
            ih = jnp.maximum(iy2 - iy1, 0.0)
            inter = iw * ih
            union = warea + a - inter
            supp = inter / union > IOU_THR
            s = jnp.where(supp, NEG, s)
            vsc[pl.ds(off, 16)] = s
            better = s > bs
            bs = jnp.maximum(bs, s)
            bi = jnp.where(better, gi, bi)
            return bs, bi

        def chunk(c, acc):
            bs, bi, gi = acc
            off = c * 64
            bs, bi = one(off, gi, bs, bi)
            bs, bi = one(off + 16, gi + 16, bs, bi)
            bs, bi = one(off + 32, gi + 32, bs, bi)
            bs, bi = one(off + 48, gi + 48, bs, bi)
            return bs, bi, gi + 64

        bs0 = jnp.full((16,), NEG, jnp.float32)
        bi0 = jnp.full((16,), BIG, jnp.int32)
        bs, bi, _ = lax.fori_loop(0, CHUNKS // 4, chunk,
                                  (bs0, bi0, base + lanes))

        m = jnp.max(bs)
        li = jnp.min(jnp.where(bs == m, bi, BIG))
        p = jnp.clip(li - base, 0, SHARD - 1)
        pf = jnp.full((16,), p, jnp.int32)
        c1 = plsc.bitcast(plsc.load_gather(vx1, [pf]), jnp.int32)
        c2 = plsc.bitcast(plsc.load_gather(vy1, [pf]), jnp.int32)
        c3 = plsc.bitcast(plsc.load_gather(vx2, [pf]), jnp.int32)
        c4 = plsc.bitcast(plsc.load_gather(vy2, [pf]), jnp.int32)
        key = jnp.where(m > NEG,
                        jnp.max(plsc.bitcast(jnp.full((16,), m, jnp.float32),
                                             jnp.int32)),
                        jnp.int32(-1))
        payload = (key, li, jnp.max(c1), jnp.max(c2), jnp.max(c3), jnp.max(c4))

        slot0 = MB_CAND + wid * 6
        for k in range(6):
            plsc.fetch_and_add(mb.at[slot0 + k], payload[k] - prev[k],
                               subcore_id=0)

        arrive(NW * (i + 2), wid == 0)

        @pl.when(wid == 0)
        def _():
            wkey = mb[MB_CAND + 0]
            widx = mb[MB_CAND + 1]
            w1 = mb[MB_CAND + 2]
            w2 = mb[MB_CAND + 3]
            w3 = mb[MB_CAND + 4]
            w4 = mb[MB_CAND + 5]
            for t in range(1, NW):
                tk = mb[MB_CAND + t * 6]
                ti = mb[MB_CAND + t * 6 + 1]
                better = (tk > wkey) | ((tk == wkey) & (ti < widx))
                wkey = jnp.where(better, tk, wkey)
                widx = jnp.where(better, ti, widx)
                w1 = jnp.where(better, mb[MB_CAND + t * 6 + 2], w1)
                w2 = jnp.where(better, mb[MB_CAND + t * 6 + 3], w2)
                w3 = jnp.where(better, mb[MB_CAND + t * 6 + 4], w3)
                w4 = jnp.where(better, mb[MB_CAND + t * 6 + 5], w4)
            mb[MB_BCAST + 0] = wkey
            mb[MB_BCAST + 1] = widx
            mb[MB_BCAST + 2] = w1
            mb[MB_BCAST + 3] = w2
            mb[MB_BCAST + 4] = w3
            mb[MB_BCAST + 5] = w4
            mb[MB_STAMP] = i + 1

        lax.while_loop(
            lambda v: v != i + 1,
            lambda v: plsc.fetch_and_add(mb.at[MB_STAMP], 0, subcore_id=0),
            jnp.int32(0))
        st = (jnp.int32(0),
              plsc.fetch_and_add(mb.at[MB_BCAST + 0], 0, subcore_id=0),
              plsc.fetch_and_add(mb.at[MB_BCAST + 1], 0, subcore_id=0),
              plsc.fetch_and_add(mb.at[MB_BCAST + 2], 0, subcore_id=0),
              plsc.fetch_and_add(mb.at[MB_BCAST + 3], 0, subcore_id=0),
              plsc.fetch_and_add(mb.at[MB_BCAST + 4], 0, subcore_id=0),
              plsc.fetch_and_add(mb.at[MB_BCAST + 5], 0, subcore_id=0))
        wkey, widx = st[1], st[2]
        anyv = wkey >= 0
        nx1 = jnp.where(anyv,
                        plsc.bitcast(jnp.full((16,), st[3], jnp.int32),
                                     jnp.float32), 0.0)
        ny1 = jnp.where(anyv,
                        plsc.bitcast(jnp.full((16,), st[4], jnp.int32),
                                     jnp.float32), 0.0)
        nx2 = jnp.where(anyv,
                        plsc.bitcast(jnp.full((16,), st[5], jnp.int32),
                                     jnp.float32), 0.0)
        ny2 = jnp.where(anyv,
                        plsc.bitcast(jnp.full((16,), st[6], jnp.int32),
                                     jnp.float32), 0.0)
        wiv_n = jnp.where(anyv, jnp.full((16,), widx, jnp.int32),
                          jnp.full((16,), -1, jnp.int32))

        @pl.when(wid == 0)
        def _():
            kv = jnp.where(anyv, widx, jnp.int32(-1))
            plsc.store_scatter(keep_v, [jnp.full((16,), i, jnp.int32)],
                               jnp.full((16,), kv, jnp.int32),
                               mask=lanes == 0)
            coords = jnp.where(lanes == 0, nx1,
                     jnp.where(lanes == 1, ny1,
                     jnp.where(lanes == 2, nx2, ny2)))
            plsc.store_scatter(bx_v, [jnp.full((16,), i, jnp.int32), lanes],
                               coords, mask=lanes < 4)

        return (nx1, ny1, nx2, ny2, wiv_n, payload)

    z = jnp.int32(0)
    init = (jnp.zeros((16,), jnp.float32),
            jnp.zeros((16,), jnp.float32),
            jnp.zeros((16,), jnp.float32),
            jnp.zeros((16,), jnp.float32),
            jnp.full((16,), -1, jnp.int32),
            (z, z, z, z, z, z))
    lax.fori_loop(0, MAX_KEEP, iter_body, init)

    @pl.when(wid == 0)
    def _():
        pltpu.sync_copy(keep_v, keep_h)
        pltpu.sync_copy(bx_v, bx_h)


@jax.jit
def kernel(boxes, scores):
    pad = NPAD - N
    x1 = jnp.pad(boxes[:, 0], (0, pad))
    y1 = jnp.pad(boxes[:, 1], (0, pad))
    x2 = jnp.pad(boxes[:, 2], (0, pad))
    y2 = jnp.pad(boxes[:, 3], (0, pad))
    sc = jnp.pad(scores, (0, pad), constant_values=NEG)

    mesh = plsc.VectorSubcoreMesh(core_axis_name="c", subcore_axis_name="s",
                                  num_cores=1, num_subcores=NW)
    f = pl.kernel(
        _sc_nms,
        out_type=[
            jax.ShapeDtypeStruct((MAX_KEEP,), jnp.int32),
            jax.ShapeDtypeStruct((MAX_KEEP, 4), jnp.float32),
        ],
        mesh=mesh,
        compiler_params=pltpu.CompilerParams(needs_layout_passes=False),
        scratch_types=[
            pltpu.VMEM((SHARD,), jnp.float32),
            pltpu.VMEM((SHARD,), jnp.float32),
            pltpu.VMEM((SHARD,), jnp.float32),
            pltpu.VMEM((SHARD,), jnp.float32),
            pltpu.VMEM((SHARD,), jnp.float32),
            pltpu.VMEM((SHARD,), jnp.float32),
            pltpu.VMEM((MAX_KEEP,), jnp.int32),
            pltpu.VMEM((MAX_KEEP, 4), jnp.float32),
            pltpu.SMEM((MB_SIZE,), jnp.int32),
        ],
    )
    keep, kept_boxes = f(x1, y1, x2, y2, sc)
    return kept_boxes, keep

# --- scband reference (transcript-rebuilt; emitter-appended) ---
"""Pipeline reference for scband-faster-rcnn-84610855731301 (READ-ONLY COPY).

The authoritative reference and input builder live on the scoring server;
editing this copy changes nothing except your own understanding.
"""

import jax, jax.numpy as jnp
import numpy as np

IOU_THRESHOLD = 0.7
POST_NMS_TOP_N = 300


def setup_inputs(seed: int = 0) -> dict:
    key = jax.random.key(seed)
    k1, k2, k3 = jax.random.split(key, 3)
    N = 20000
    H, W = 800.0, 800.0
    xy = jax.random.uniform(k1, (N, 2), dtype=jnp.float32) * jnp.array([W - 1.0, H - 1.0], dtype=jnp.float32)
    wh = jax.random.uniform(k2, (N, 2), dtype=jnp.float32) * 256.0 + 8.0
    x1y1 = xy
    x2y2 = jnp.minimum(xy + wh, jnp.array([W, H], dtype=jnp.float32))
    boxes = jnp.concatenate([x1y1, x2y2], axis=1).astype(jnp.float32)
    scores = jax.random.uniform(k3, (N,), dtype=jnp.float32)
    return {"boxes": boxes, "scores": scores}


def _nms_keep(boxes, scores, iou_threshold, max_keep):
    # Faithful greedy NMS: repeatedly take the highest-scoring unsuppressed box
    # (equivalent to iterating in descending-score order like the torch version),
    # suppress boxes whose IoU with it exceeds the threshold. Matches the torch
    # reference: no +1 in width/height, IoU=0 when there is no positive overlap,
    # boxes kept when iou <= threshold.
    N = boxes.shape[0]
    x1, y1, x2, y2 = boxes[:, 0], boxes[:, 1], boxes[:, 2], boxes[:, 3]
    areas = (x2 - x1) * (y2 - y1)
    idxs = jnp.arange(N)

    def body(i, state):
        suppressed, keep = state
        masked = jnp.where(suppressed, -jnp.inf, scores)
        best = jnp.argmax(masked)
        any_valid = jnp.any(~suppressed)
        ix1 = jnp.maximum(x1[best], x1)
        iy1 = jnp.maximum(y1[best], y1)
        ix2 = jnp.minimum(x2[best], x2)
        iy2 = jnp.minimum(y2[best], y2)
        iw = ix2 - ix1
        ih = iy2 - iy1
        has_inter = (iw > 0) & (ih > 0)
        inter = jnp.where(has_inter, iw * ih, 0.0)
        union = areas[best] + areas - inter
        iou = jnp.where(has_inter, inter / union, 0.0)
        supp_new = suppressed | (iou > iou_threshold) | (idxs == best)
        suppressed = jnp.where(any_valid, supp_new, suppressed)
        keep = keep.at[i].set(jnp.where(any_valid, best.astype(jnp.int32), jnp.int32(-1)))
        return (suppressed, keep)

    suppressed0 = jnp.zeros((N,), dtype=bool)
    keep0 = jnp.full((max_keep,), -1, dtype=jnp.int32)
    _, keep = jax.lax.fori_loop(0, max_keep, body, (suppressed0, keep0))
    return keep


def reference(boxes, scores):
    keep = _nms_keep(boxes, scores, IOU_THRESHOLD, POST_NMS_TOP_N)
    valid = keep >= 0
    safe = jnp.clip(keep, 0, boxes.shape[0] - 1)
    kept_boxes = jnp.where(valid[:, None], boxes[safe], 0.0)
    return kept_boxes, keep

if __name__ == "__main__":
    import jax
    _d = setup_inputs()
    print(jax.jit(kernel)(*tuple(_d.values())))

</pallas_src>

<mosaic_0001>
#map = affine_map<(d0, d1) -> (0)>
#map1 = affine_map<(d0, d1) -> (0, 0)>
module attributes {stable_mosaic.version = 14 : i64} {
  func.func @_sc_nms(%arg0: i32, %arg1: i32, %arg2: memref<20480xf32, #tpu.memory_space<hbm>>, %arg3: memref<20480xf32, #tpu.memory_space<hbm>>, %arg4: memref<20480xf32, #tpu.memory_space<hbm>>, %arg5: memref<20480xf32, #tpu.memory_space<hbm>>, %arg6: memref<20480xf32, #tpu.memory_space<hbm>>, %arg7: memref<300xi32, #tpu.memory_space<hbm>>, %arg8: memref<300x4xf32, #tpu.memory_space<hbm>>, %arg9: memref<1280xf32, #tpu.memory_space<vmem>>, %arg10: memref<1280xf32, #tpu.memory_space<vmem>>, %arg11: memref<1280xf32, #tpu.memory_space<vmem>>, %arg12: memref<1280xf32, #tpu.memory_space<vmem>>, %arg13: memref<1280xf32, #tpu.memory_space<vmem>>, %arg14: memref<1280xf32, #tpu.memory_space<vmem>>, %arg15: memref<300xi32, #tpu.memory_space<vmem>>, %arg16: memref<300x4xf32, #tpu.memory_space<vmem>>, %arg17: memref<104xi32, #tpu.memory_space<smem>>) attributes {dimension_semantics = [#tpu.dimension_semantics<core_parallel>, #tpu.dimension_semantics<subcore_parallel>], iteration_bounds = array<i64: 1, 16>, scalar_prefetch = 0 : i64, scratch_operands = 9 : i64, tpu.core_type = #tpu.core_type<sc_vector_subcore>, window_params = [{transform_indices = #map}, {transform_indices = #map}, {transform_indices = #map}, {transform_indices = #map}, {transform_indices = #map}, {transform_indices = #map}, {transform_indices = #map1}]} {
    %mul3A = arith.constant 1280 : i32
    %mul3A_0 = arith.muli %arg1, %mul3A : i32
    %eq3A = arith.constant 0 : i32
    %eq3A_1 = arith.cmpi eq, %arg1, %eq3A : i32
    %convert_element_type3A = arith.extui %eq3A_1 : i1 to i32
    %cond3A = arith.constant 0 : i32
    %cond3A_2 = arith.cmpi ne, %convert_element_type3A, %cond3A : i32
    scf.if %cond3A_2 {
      %swap3A = arith.constant 0 : i32
      %swap3A_39 = arith.constant 0 : i32
      %swap3A_40 = arith.index_cast %swap3A_39 : i32 to index
      %swap3A_41 = memref.load %arg17[%swap3A_40] : memref<104xi32, #tpu.memory_space<smem>>
      memref.store %swap3A, %arg17[%swap3A_40] : memref<104xi32, #tpu.memory_space<smem>>
      %swap3A_42 = arith.constant 0 : i32
      %swap3A_43 = arith.constant 1 : i32
      %swap3A_44 = arith.index_cast %swap3A_43 : i32 to index
      %swap3A_45 = memref.load %arg17[%swap3A_44] : memref<104xi32, #tpu.memory_space<smem>>
      memref.store %swap3A_42, %arg17[%swap3A_44] : memref<104xi32, #tpu.memory_space<smem>>
      %swap3A_46 = arith.constant 0 : i32
      %swap3A_47 = arith.constant 2 : i32
      %swap3A_48 = arith.index_cast %swap3A_47 : i32 to index
      %swap3A_49 = memref.load %arg17[%swap3A_48] : memref<104xi32, #tpu.memory_space<smem>>
      memref.store %swap3A_46, %arg17[%swap3A_48] : memref<104xi32, #tpu.memory_space<smem>>
      %swap3A_50 = arith.constant 0 : i32
      %swap3A_51 = arith.constant 3 : i32
      %swap3A_52 = arith.index_cast %swap3A_51 : i32 to index
      %swap3A_53 = memref.load %arg17[%swap3A_52] : memref<104xi32, #tpu.memory_space<smem>>
      memref.store %swap3A_50, %arg17[%swap3A_52] : memref<104xi32, #tpu.memory_space<smem>>
      %swap3A_54 = arith.constant 0 : i32
      %swap3A_55 = arith.constant 4 : i32
      %swap3A_56 = arith.index_cast %swap3A_55 : i32 to index
      %swap3A_57 = memref.load %arg17[%swap3A_56] : memref<104xi32, #tpu.memory_space<smem>>
      memref.store %swap3A_54, %arg17[%swap3A_56] : memref<104xi32, #tpu.memory_space<smem>>
      %swap3A_58 = arith.constant 0 : i32
      %swap3A_59 = arith.constant 5 : i32
      %swap3A_60 = arith.index_cast %swap3A_59 : i32 to index
      %swap3A_61 = memref.load %arg17[%swap3A_60] : memref<104xi32, #tpu.memory_space<smem>>
      memref.store %swap3A_58, %arg17[%swap3A_60] : memref<104xi32, #tpu.memory_space<smem>>
      %swap3A_62 = arith.constant 0 : i32
      %swap3A_63 = arith.constant 6 : i32
      %swap3A_64 = arith.index_cast %swap3A_63 : i32 to index
      %swap3A_65 = memref.load %arg17[%swap3A_64] : memref<104xi32, #tpu.memory_space<smem>>
      memref.store %swap3A_62, %arg17[%swap3A_64] : memref<104xi32, #tpu.memory_space<smem>>
      %swap3A_66 = arith.constant 0 : i32
      %swap3A_67 = arith.constant 7 : i32
      %swap3A_68 = arith.index_cast %swap3A_67 : i32 to index
      %swap3A_69 = memref.load %arg17[%swap3A_68] : memref<104xi32, #tpu.memory_space<smem>>
      memref.store %swap3A_66, %arg17[%swap3A_68] : memref<104xi32, #tpu.memory_space<smem>>
      %swap3A_70 = arith.constant 0 : i32
      %swap3A_71 = arith.constant 8 : i32
      %swap3A_72 = arith.index_cast %swap3A_71 : i32 to index
      %swap3A_73 = memref.load %arg17[%swap3A_72] : memref<104xi32, #tpu.memory_space<smem>>
      memref.store %swap3A_70, %arg17[%swap3A_72] : memref<104xi32, #tpu.memory_space<smem>>
      %swap3A_74 = arith.constant 0 : i32
      %swap3A_75 = arith.constant 9 : i32
      %swap3A_76 = arith.index_cast %swap3A_75 : i32 to index
      %swap3A_77 = memref.load %arg17[%swap3A_76] : memref<104xi32, #tpu.memory_space<smem>>
      memref.store %swap3A_74, %arg17[%swap3A_76] : memref<104xi32, #tpu.memory_space<smem>>
      %swap3A_78 = arith.constant 0 : i32
      %swap3A_79 = arith.constant 10 : i32
      %swap3A_80 = arith.index_cast %swap3A_79 : i32 to index
      %swap3A_81 = memref.load %arg17[%swap3A_80] : memref<104xi32, #tpu.memory_space<smem>>
      memref.store %swap3A_78, %arg17[%swap3A_80] : memref<104xi32, #tpu.memory_space<smem>>
      %swap3A_82 = arith.constant 0 : i32
      %swap3A_83 = arith.constant 11 : i32
      %swap3A_84 = arith.index_cast %swap3A_83 : i32 to index
      %swap3A_85 = memref.load %arg17[%swap3A_84] : memref<104xi32, #tpu.memory_space<smem>>
      memref.store %swap3A_82, %arg17[%swap3A_84] : memref<104xi32, #tpu.memory_space<smem>>
      %swap3A_86 = arith.constant 0 : i32
      %swap3A_87 = arith.constant 12 : i32
      %swap3A_88 = arith.index_cast %swap3A_87 : i32 to index
      %swap3A_89 = memref.load %arg17[%swap3A_88] : memref<104xi32, #tpu.memory_space<smem>>
      memref.store %swap3A_86, %arg17[%swap3A_88] : memref<104xi32, #tpu.memory_space<smem>>
      %swap3A_90 = arith.constant 0 : i32
      %swap3A_91 = arith.constant 13 : i32
      %swap3A_92 = arith.index_cast %swap3A_91 : i32 to index
      %swap3A_93 = memref.load %arg17[%swap3A_92] : memref<104xi32, #tpu.memory_space<smem>>
      memref.store %swap3A_90, %arg17[%swap3A_92] : memref<104xi32, #tpu.memory_space<smem>>
      %swap3A_94 = arith.constant 0 : i32
      %swap3A_95 = arith.constant 14 : i32
      %swap3A_96 = arith.index_cast %swap3A_95 : i32 to index
      %swap3A_97 = memref.load %arg17[%swap3A_96] : memref<104xi32, #tpu.memory_space<smem>>
      memref.store %swap3A_94, %arg17[%swap3A_96] : memref<104xi32, #tpu.memory_space<smem>>
      %swap3A_98 = arith.constant 0 : i32
      %swap3A_99 = arith.constant 15 : i32
      %swap3A_100 = arith.index_cast %swap3A_99 : i32 to index
      %swap3A_101 = memref.load %arg17[%swap3A_100] : memref<104xi32, #tpu.memory_space<smem>>
      memref.store %swap3A_98, %arg17[%swap3A_100] : memref<104xi32, #tpu.memory_space<smem>>
      %swap3A_102 = arith.constant 0 : i32
      %swap3A_103 = arith.constant 16 : i32
      %swap3A_104 = arith.index_cast %swap3A_103 : i32 to index
      %swap3A_105 = memref.load %arg17[%swap3A_104] : memref<104xi32, #tpu.memory_space<smem>>
      memref.store %swap3A_102, %arg17[%swap3A_104] : memref<104xi32, #tpu.memory_space<smem>>
      %swap3A_106 = arith.constant 0 : i32
      %swap3A_107 = arith.constant 17 : i32
      %swap3A_108 = arith.index_cast %swap3A_107 : i32 to index
      %swap3A_109 = memref.load %arg17[%swap3A_108] : memref<104xi32, #tpu.memory_space<smem>>
      memref.store %swap3A_106, %arg17[%swap3A_108] : memref<104xi32, #tpu.memory_space<smem>>
      %swap3A_110 = arith.constant 0 : i32
      %swap3A_111 = arith.constant 18 : i32
      %swap3A_112 = arith.index_cast %swap3A_111 : i32 to index
      %swap3A_113 = memref.load %arg17[%swap3A_112] : memref<104xi32, #tpu.memory_space<smem>>
      memref.store %swap3A_110, %arg17[%swap3A_112] : memref<104xi32, #tpu.memory_space<smem>>
      %swap3A_114 = arith.constant 0 : i32
      %swap3A_115 = arith.constant 19 : i32
      %swap3A_116 = arith.index_cast %swap3A_115 : i32 to index
      %swap3A_117 = memref.load %arg17[%swap3A_116] : memref<104xi32, #tpu.memory_space<smem>>
      memref.store %swap3A_114, %arg17[%swap3A_116] : memref<104xi32, #tpu.memory_space<smem>>
      %swap3A_118 = arith.constant 0 : i32
      %swap3A_119 = arith.constant 20 : i32
      %swap3A_120 = arith.index_cast %swap3A_119 : i32 to index
      %swap3A_121 = memref.load %arg17[%swap3A_120] : memref<104xi32, #tpu.memory_space<smem>>
      memref.store %swap3A_118, %arg17[%swap3A_120] : memref<104xi32, #tpu.memory_space<smem>>
      %swap3A_122 = arith.constant 0 : i32
      %swap3A_123 = arith.constant 21 : i32
      %swap3A_124 = arith.index_cast %swap3A_123 : i32 to index
      %swap3A_125 = memref.load %arg17[%swap3A_124] : memref<104xi32, #tpu.memory_space<smem>>
      memref.store %swap3A_122, %arg17[%swap3A_124] : memref<104xi32, #tpu.memory_space<smem>>
      %swap3A_126 = arith.constant 0 : i32
      %swap3A_127 = arith.constant 22 : i32
      %swap3A_128 = arith.index_cast %swap3A_127 : i32 to index
      %swap3A_129 = memref.load %arg17[%swap3A_128] : memref<104xi32, #tpu.memory_space<smem>>
      memref.store %swap3A_126, %arg17[%swap3A_128] : memref<104xi32, #tpu.memory_space<smem>>
      %swap3A_130 = arith.constant 0 : i32
      %swap3A_131 = arith.constant 23 : i32
      %swap3A_132 = arith.index_cast %swap3A_131 : i32 to index
      %swap3A_133 = memref.load %arg17[%swap3A_132] : memref<104xi32, #tpu.memory_space<smem>>
      memref.store %swap3A_130, %arg17[%swap3A_132] : memref<104xi32, #tpu.memory_space<smem>>
      %swap3A_134 = arith.constant 0 : i32
      %swap3A_135 = arith.constant 24 : i32
      %swap3A_136 = arith.index_cast %swap3A_135 : i32 to index
      %swap3A_137 = memref.load %arg17[%swap3A_136] : memref<104xi32, #tpu.memory_space<smem>>
      memref.store %swap3A_134, %arg17[%swap3A_136] : memref<104xi32, #tpu.memory_space<smem>>
      %swap3A_138 = arith.constant 0 : i32
      %swap3A_139 = arith.constant 25 : i32
      %swap3A_140 = arith.index_cast %swap3A_139 : i32 to index
      %swap3A_141 = memref.load %arg17[%swap3A_140] : memref<104xi32, #tpu.memory_space<smem>>
      memref.store %swap3A_138, %arg17[%swap3A_140] : memref<104xi32, #tpu.memory_space<smem>>
      %swap3A_142 = arith.constant 0 : i32
      %swap3A_143 = arith.constant 26 : i32
      %swap3A_144 = arith.index_cast %swap3A_143 : i32 to index
      %swap3A_145 = memref.load %arg17[%swap3A_144] : memref<104xi32, #tpu.memory_space<smem>>
      memref.store %swap3A_142, %arg17[%swap3A_144] : memref<104xi32, #tpu.memory_space<smem>>
      %swap3A_146 = arith.constant 0 : i32
      %swap3A_147 = arith.constant 27 : i32
      %swap3A_148 = arith.index_cast %swap3A_147 : i32 to index
      %swap3A_149 = memref.load %arg17[%swap3A_148] : memref<104xi32, #tpu.memory_space<smem>>
      memref.store %swap3A_146, %arg17[%swap3A_148] : memref<104xi32, #tpu.memory_space<smem>>
      %swap3A_150 = arith.constant 0 : i32
      %swap3A_151 = arith.constant 28 : i32
      %swap3A_152 = arith.index_cast %swap3A_151 : i32 to index
      %swap3A_153 = memref.load %arg17[%swap3A_152] : memref<104xi32, #tpu.memory_space<smem>>
      memref.store %swap3A_150, %arg17[%swap3A_152] : memref<104xi32, #tpu.memory_space<smem>>
      %swap3A_154 = arith.constant 0 : i32
      %swap3A_155 = arith.constant 29 : i32
      %swap3A_156 = arith.index_cast %swap3A_155 : i32 to index
      %swap3A_157 = memref.load %arg17[%swap3A_156] : memref<104xi32, #tpu.memory_space<smem>>
      memref.store %swap3A_154, %arg17[%swap3A_156] : memref<104xi32, #tpu.memory_space<smem>>
      %swap3A_158 = arith.constant 0 : i32
      %swap3A_159 = arith.constant 30 : i32
      %swap3A_160 = arith.index_cast %swap3A_159 : i32 to index
      %swap3A_161 = memref.load %arg17[%swap3A_160] : memref<104xi32, #tpu.memory_space<smem>>
      memref.store %swap3A_158, %arg17[%swap3A_160] : memref<104xi32, #tpu.memory_space<smem>>
      %swap3A_162 = arith.constant 0 : i32
      %swap3A_163 = arith.constant 31 : i32
      %swap3A_164 = arith.index_cast %swap3A_163 : i32 to index
      %swap3A_165 = memref.load %arg17[%swap3A_164] : memref<104xi32, #tpu.memory_space<smem>>
      memref.store %swap3A_162, %arg17[%swap3A_164] : memref<104xi32, #tpu.memory_space<smem>>
      %swap3A_166 = arith.constant 0 : i32
      %swap3A_167 = arith.constant 32 : i32
      %swap3A_168 = arith.index_cast %swap3A_167 : i32 to index
      %swap3A_169 = memref.load %arg17[%swap3A_168] : memref<104xi32, #tpu.memory_space<smem>>
      memref.store %swap3A_166, %arg17[%swap3A_168] : memref<104xi32, #tpu.memory_space<smem>>
      %swap3A_170 = arith.constant 0 : i32
      %swap3A_171 = arith.constant 33 : i32
      %swap3A_172 = arith.index_cast %swap3A_171 : i32 to index
      %swap3A_173 = memref.load %arg17[%swap3A_172] : memref<104xi32, #tpu.memory_space<smem>>
      memref.store %swap3A_170, %arg17[%swap3A_172] : memref<104xi32, #tpu.memory_space<smem>>
      %swap3A_174 = arith.constant 0 : i32
      %swap3A_175 = arith.constant 34 : i32
      %swap3A_176 = arith.index_cast %swap3A_175 : i32 to index
      %swap3A_177 = memref.load %arg17[%swap3A_176] : memref<104xi32, #tpu.memory_space<smem>>
      memref.store %swap3A_174, %arg17[%swap3A_176] : memref<104xi32, #tpu.memory_space<smem>>
      %swap3A_178 = arith.constant 0 : i32
      %swap3A_179 = arith.constant 35 : i32
      %swap3A_180 = arith.index_cast %swap3A_179 : i32 to index
      %swap3A_181 = memref.load %arg17[%swap3A_180] : memref<104xi32, #tpu.memory_space<smem>>
      memref.store %swap3A_178, %arg17[%swap3A_180] : memref<104xi32, #tpu.memory_space<smem>>
      %swap3A_182 = arith.constant 0 : i32
      %swap3A_183 = arith.constant 36 : i32
      %swap3A_184 = arith.index_cast %swap3A_183 : i32 to index
      %swap3A_185 = memref.load %arg17[%swap3A_184] : memref<104xi32, #tpu.memory_space<smem>>
      memref.store %swap3A_182, %arg17[%swap3A_184] : memref<104xi32, #tpu.memory_space<smem>>
      %swap3A_186 = arith.constant 0 : i32
      %swap3A_187 = arith.constant 37 : i32
      %swap3A_188 = arith.index_cast %swap3A_187 : i32 to index
      %swap3A_189 = memref.load %arg17[%swap3A_188] : memref<104xi32, #tpu.memory_space<smem>>
      memref.store %swap3A_186, %arg17[%swap3A_188] : memref<104xi32, #tpu.memory_space<smem>>
      %swap3A_190 = arith.constant 0 : i32
      %swap3A_191 = arith.constant 38 : i32
      %swap3A_192 = arith.index_cast %swap3A_191 : i32 to index
      %swap3A_193 = memref.load %arg17[%swap3A_192] : memref<104xi32, #tpu.memory_space<smem>>
      memref.store %swap3A_190, %arg17[%swap3A_192] : memref<104xi32, #tpu.memory_space<smem>>
      %swap3A_194 = arith.constant 0 : i32
      %swap3A_195 = arith.constant 39 : i32
      %swap3A_196 = arith.index_cast %swap3A_195 : i32 to index
      %swap3A_197 = memref.load %arg17[%swap3A_196] : memref<104xi32, #tpu.memory_space<smem>>
      memref.store %swap3A_194, %arg17[%swap3A_196] : memref<104xi32, #tpu.memory_space<smem>>
      %swap3A_198 = arith.constant 0 : i32
      %swap3A_199 = arith.constant 40 : i32
      %swap3A_200 = arith.index_cast %swap3A_199 : i32 to index
      %swap3A_201 = memref.load %arg17[%swap3A_200] : memref<104xi32, #tpu.memory_space<smem>>
      memref.store %swap3A_198, %arg17[%swap3A_200] : memref<104xi32, #tpu.memory_space<smem>>
      %swap3A_202 = arith.constant 0 : i32
      %swap3A_203 = arith.constant 41 : i32
      %swap3A_204 = arith.index_cast %swap3A_203 : i32 to index
      %swap3A_205 = memref.load %arg17[%swap3A_204] : memref<104xi32, #tpu.memory_space<smem>>
      memref.store %swap3A_202, %arg17[%swap3A_204] : memref<104xi32, #tpu.memory_space<smem>>
      %swap3A_206 = arith.constant 0 : i32
      %swap3A_207 = arith.constant 42 : i32
      %swap3A_208 = arith.index_cast %swap3A_207 : i32 to index
      %swap3A_209 = memref.load %arg17[%swap3A_208] : memref<104xi32, #tpu.memory_space<smem>>
      memref.store %swap3A_206, %arg17[%swap3A_208] : memref<104xi32, #tpu.memory_space<smem>>
      %swap3A_210 = arith.constant 0 : i32
      %swap3A_211 = arith.constant 43 : i32
      %swap3A_212 = arith.index_cast %swap3A_211 : i32 to index
      %swap3A_213 = memref.load %arg17[%swap3A_212] : memref<104xi32, #tpu.memory_space<smem>>
      memref.store %swap3A_210, %arg17[%swap3A_212] : memref<104xi32, #tpu.memory_space<smem>>
      %swap3A_214 = arith.constant 0 : i32
      %swap3A_215 = arith.constant 44 : i32
      %swap3A_216 = arith.index_cast %swap3A_215 : i32 to index
      %swap3A_217 = memref.load %arg17[%swap3A_216] : memref<104xi32, #tpu.memory_space<smem>>
      memref.store %swap3A_214, %arg17[%swap3A_216] : memref<104xi32, #tpu.memory_space<smem>>
      %swap3A_218 = arith.constant 0 : i32
      %swap3A_219 = arith.constant 45 : i32
      %swap3A_220 = arith.index_cast %swap3A_219 : i32 to index
      %swap3A_221 = memref.load %arg17[%swap3A_220] : memref<104xi32, #tpu.memory_space<smem>>
      memref.store %swap3A_218, %arg17[%swap3A_220] : memref<104xi32, #tpu.memory_space<smem>>
      %swap3A_222 = arith.constant 0 : i32
      %swap3A_223 = arith.constant 46 : i32
      %swap3A_224 = arith.index_cast %swap3A_223 : i32 to index
      %swap3A_225 = memref.load %arg17[%swap3A_224] : memref<104xi32, #tpu.memory_space<smem>>
      memref.store %swap3A_222, %arg17[%swap3A_224] : memref<104xi32, #tpu.memory_space<smem>>
      %swap3A_226 = arith.constant 0 : i32
      %swap3A_227 = arith.constant 47 : i32
      %swap3A_228 = arith.index_cast %swap3A_227 : i32 to index
      %swap3A_229 = memref.load %arg17[%swap3A_228] : memref<104xi32, #tpu.memory_space<smem>>
      memref.store %swap3A_226, %arg17[%swap3A_228] : memref<104xi32, #tpu.memory_space<smem>>
      %swap3A_230 = arith.constant 0 : i32
      %swap3A_231 = arith.constant 48 : i32
      %swap3A_232 = arith.index_cast %swap3A_231 : i32 to index
      %swap3A_233 = memref.load %arg17[%swap3A_232] : memref<104xi32, #tpu.memory_space<smem>>
      memref.store %swap3A_230, %arg17[%swap3A_232] : memref<104xi32, #tpu.memory_space<smem>>
      %swap3A_234 = arith.constant 0 : i32
      %swap3A_235 = arith.constant 49 : i32
      %swap3A_236 = arith.index_cast %swap3A_235 : i32 to index
      %swap3A_237 = memref.load %arg17[%swap3A_236] : memref<104xi32, #tpu.memory_space<smem>>
      memref.store %swap3A_234, %arg17[%swap3A_236] : memref<104xi32, #tpu.memory_space<smem>>
      %swap3A_238 = arith.constant 0 : i32
      %swap3A_239 = arith.constant 50 : i32
      %swap3A_240 = arith.index_cast %swap3A_239 : i32 to index
      %swap3A_241 = memref.load %arg17[%swap3A_240] : memref<104xi32, #tpu.memory_space<smem>>
      memref.store %swap3A_238, %arg17[%swap3A_240] : memref<104xi32, #tpu.memory_space<smem>>
      %swap3A_242 = arith.constant 0 : i32
      %swap3A_243 = arith.constant 51 : i32
      %swap3A_244 = arith.index_cast %swap3A_243 : i32 to index
      %swap3A_245 = memref.load %arg17[%swap3A_244] : memref<104xi32, #tpu.memory_space<smem>>
      memref.store %swap3A_242, %arg17[%swap3A_244] : memref<104xi32, #tpu.memory_space<smem>>
      %swap3A_246 = arith.constant 0 : i32
      %swap3A_247 = arith.constant 52 : i32
      %swap3A_248 = arith.index_cast %swap3A_247 : i32 to index
      %swap3A_249 = memref.load %arg17[%swap3A_248] : memref<104xi32, #tpu.memory_space<smem>>
      memref.store %swap3A_246, %arg17[%swap3A_248] : memref<104xi32, #tpu.memory_space<smem>>
      %swap3A_250 = arith.constant 0 : i32
      %swap3A_251 = arith.constant 53 : i32
      %swap3A_252 = arith.index_cast %swap3A_251 : i32 to index
      %swap3A_253 = memref.load %arg17[%swap3A_252] : memref<104xi32, #tpu.memory_space<smem>>
      memref.store %swap3A_250, %arg17[%swap3A_252] : memref<104xi32, #tpu.memory_space<smem>>
      %swap3A_254 = arith.constant 0 : i32
      %swap3A_255 = arith.constant 54 : i32
      %swap3A_256 = arith.index_cast %swap3A_255 : i32 to index
      %swap3A_257 = memref.load %arg17[%swap3A_256] : memref<104xi32, #tpu.memory_space<smem>>
      memref.store %swap3A_254, %arg17[%swap3A_256] : memref<104xi32, #tpu.memory_space<smem>>
      %swap3A_258 = arith.constant 0 : i32
      %swap3A_259 = arith.constant 55 : i32
      %swap3A_260 = arith.index_cast %swap3A_259 : i32 to index
      %swap3A_261 = memref.load %arg17[%swap3A_260] : memref<104xi32, #tpu.memory_space<smem>>
      memref.store %swap3A_258, %arg17[%swap3A_260] : memref<104xi32, #tpu.memory_space<smem>>
      %swap3A_262 = arith.constant 0 : i32
      %swap3A_263 = arith.constant 56 : i32
      %swap3A_264 = arith.index_cast %swap3A_263 : i32 to index
      %swap3A_265 = memref.load %arg17[%swap3A_264] : memref<104xi32, #tpu.memory_space<smem>>
      memref.store %swap3A_262, %arg17[%swap3A_264] : memref<104xi32, #tpu.memory_space<smem>>
      %swap3A_266 = arith.constant 0 : i32
      %swap3A_267 = arith.constant 57 : i32
      %swap3A_268 = arith.index_cast %swap3A_267 : i32 to index
      %swap3A_269 = memref.load %arg17[%swap3A_268] : memref<104xi32, #tpu.memory_space<smem>>
      memref.store %swap3A_266, %arg17[%swap3A_268] : memref<104xi32, #tpu.memory_space<smem>>
      %swap3A_270 = arith.constant 0 : i32
      %swap3A_271 = arith.constant 58 : i32
      %swap3A_272 = arith.index_cast %swap3A_271 : i32 to index
      %swap3A_273 = memref.load %arg17[%swap3A_272] : memref<104xi32, #tpu.memory_space<smem>>
      memref.store %swap3A_270, %arg17[%swap3A_272] : memref<104xi32, #tpu.memory_space<smem>>
      %swap3A_274 = arith.constant 0 : i32
      %swap3A_275 = arith.constant 59 : i32
      %swap3A_276 = arith.index_cast %swap3A_275 : i32 to index
      %swap3A_277 = memref.load %arg17[%swap3A_276] : memref<104xi32, #tpu.memory_space<smem>>
      memref.store %swap3A_274, %arg17[%swap3A_276] : memref<104xi32, #tpu.memory_space<smem>>
      %swap3A_278 = arith.constant 0 : i32
      %swap3A_279 = arith.constant 60 : i32
      %swap3A_280 = arith.index_cast %swap3A_279 : i32 to index
      %swap3A_281 = memref.load %arg17[%swap3A_280] : memref<104xi32, #tpu.memory_space<smem>>
      memref.store %swap3A_278, %arg17[%swap3A_280] : memref<104xi32, #tpu.memory_space<smem>>
      %swap3A_282 = arith.constant 0 : i32
      %swap3A_283 = arith.constant 61 : i32
      %swap3A_284 = arith.index_cast %swap3A_283 : i32 to index
      %swap3A_285 = memref.load %arg17[%swap3A_284] : memref<104xi32, #tpu.memory_space<smem>>
      memref.store %swap3A_282, %arg17[%swap3A_284] : memref<104xi32, #tpu.memory_space<smem>>
      %swap3A_286 = arith.constant 0 : i32
      %swap3A_287 = arith.constant 62 : i32
      %swap3A_288 = arith.index_cast %swap3A_287 : i32 to index
      %swap3A_289 = memref.load %arg17[%swap3A_288] : memref<104xi32, #tpu.memory_space<smem>>
      memref.store %swap3A_286, %arg17[%swap3A_288] : memref<104xi32, #tpu.memory_space<smem>>
      %swap3A_290 = arith.constant 0 : i32
      %swap3A_291 = arith.constant 63 : i32
      %swap3A_292 = arith.index_cast %swap3A_291 : i32 to index
      %swap3A_293 = memref.load %arg17[%swap3A_292] : memref<104xi32, #tpu.memory_space<smem>>
      memref.store %swap3A_290, %arg17[%swap3A_292] : memref<104xi32, #tpu.memory_space<smem>>
      %swap3A_294 = arith.constant 0 : i32
      %swap3A_295 = arith.constant 64 : i32
      %swap3A_296 = arith.index_cast %swap3A_295 : i32 to index
      %swap3A_297 = memref.load %arg17[%swap3A_296] : memref<104xi32, #tpu.memory_space<smem>>
      memref.store %swap3A_294, %arg17[%swap3A_296] : memref<104xi32, #tpu.memory_space<smem>>
      %swap3A_298 = arith.constant 0 : i32
      %swap3A_299 = arith.constant 65 : i32
      %swap3A_300 = arith.index_cast %swap3A_299 : i32 to index
      %swap3A_301 = memref.load %arg17[%swap3A_300] : memref<104xi32, #tpu.memory_space<smem>>
      memref.store %swap3A_298, %arg17[%swap3A_300] : memref<104xi32, #tpu.memory_space<smem>>
      %swap3A_302 = arith.constant 0 : i32
      %swap3A_303 = arith.constant 66 : i32
      %swap3A_304 = arith.index_cast %swap3A_303 : i32 to index
      %swap3A_305 = memref.load %arg17[%swap3A_304] : memref<104xi32, #tpu.memory_space<smem>>
      memref.store %swap3A_302, %arg17[%swap3A_304] : memref<104xi32, #tpu.memory_space<smem>>
      %swap3A_306 = arith.constant 0 : i32
      %swap3A_307 = arith.constant 67 : i32
      %swap3A_308 = arith.index_cast %swap3A_307 : i32 to index
      %swap3A_309 = memref.load %arg17[%swap3A_308] : memref<104xi32, #tpu.memory_space<smem>>
      memref.store %swap3A_306, %arg17[%swap3A_308] : memref<104xi32, #tpu.memory_space<smem>>
      %swap3A_310 = arith.constant 0 : i32
      %swap3A_311 = arith.constant 68 : i32
      %swap3A_312 = arith.index_cast %swap3A_311 : i32 to index
      %swap3A_313 = memref.load %arg17[%swap3A_312] : memref<104xi32, #tpu.memory_space<smem>>
      memref.store %swap3A_310, %arg17[%swap3A_312] : memref<104xi32, #tpu.memory_space<smem>>
      %swap3A_314 = arith.constant 0 : i32
      %swap3A_315 = arith.constant 69 : i32
      %swap3A_316 = arith.index_cast %swap3A_315 : i32 to index
      %swap3A_317 = memref.load %arg17[%swap3A_316] : memref<104xi32, #tpu.memory_space<smem>>
      memref.store %swap3A_314, %arg17[%swap3A_316] : memref<104xi32, #tpu.memory_space<smem>>
      %swap3A_318 = arith.constant 0 : i32
      %swap3A_319 = arith.constant 70 : i32
      %swap3A_320 = arith.index_cast %swap3A_319 : i32 to index
      %swap3A_321 = memref.load %arg17[%swap3A_320] : memref<104xi32, #tpu.memory_space<smem>>
      memref.store %swap3A_318, %arg17[%swap3A_320] : memref<104xi32, #tpu.memory_space<smem>>
      %swap3A_322 = arith.constant 0 : i32
      %swap3A_323 = arith.constant 71 : i32
      %swap3A_324 = arith.index_cast %swap3A_323 : i32 to index
      %swap3A_325 = memref.load %arg17[%swap3A_324] : memref<104xi32, #tpu.memory_space<smem>>
      memref.store %swap3A_322, %arg17[%swap3A_324] : memref<104xi32, #tpu.memory_space<smem>>
      %swap3A_326 = arith.constant 0 : i32
      %swap3A_327 = arith.constant 72 : i32
      %swap3A_328 = arith.index_cast %swap3A_327 : i32 to index
      %swap3A_329 = memref.load %arg17[%swap3A_328] : memref<104xi32, #tpu.memory_space<smem>>
      memref.store %swap3A_326, %arg17[%swap3A_328] : memref<104xi32, #tpu.memory_space<smem>>
      %swap3A_330 = arith.constant 0 : i32
      %swap3A_331 = arith.constant 73 : i32
      %swap3A_332 = arith.index_cast %swap3A_331 : i32 to index
      %swap3A_333 = memref.load %arg17[%swap3A_332] : memref<104xi32, #tpu.memory_space<smem>>
      memref.store %swap3A_330, %arg17[%swap3A_332] : memref<104xi32, #tpu.memory_space<smem>>
      %swap3A_334 = arith.constant 0 : i32
      %swap3A_335 = arith.constant 74 : i32
      %swap3A_336 = arith.index_cast %swap3A_335 : i32 to index
      %swap3A_337 = memref.load %arg17[%swap3A_336] : memref<104xi32, #tpu.memory_space<smem>>
      memref.store %swap3A_334, %arg17[%swap3A_336] : memref<104xi32, #tpu.memory_space<smem>>
      %swap3A_338 = arith.constant 0 : i32
      %swap3A_339 = arith.constant 75 : i32
      %swap3A_340 = arith.index_cast %swap3A_339 : i32 to index
      %swap3A_341 = memref.load %arg17[%swap3A_340] : memref<104xi32, #tpu.memory_space<smem>>
      memref.store %swap3A_338, %arg17[%swap3A_340] : memref<104xi32, #tpu.memory_space<smem>>
      %swap3A_342 = arith.constant 0 : i32
      %swap3A_343 = arith.constant 76 : i32
      %swap3A_344 = arith.index_cast %swap3A_343 : i32 to index
      %swap3A_345 = memref.load %arg17[%swap3A_344] : memref<104xi32, #tpu.memory_space<smem>>
      memref.store %swap3A_342, %arg17[%swap3A_344] : memref<104xi32, #tpu.memory_space<smem>>
      %swap3A_346 = arith.constant 0 : i32
      %swap3A_347 = arith.constant 77 : i32
      %swap3A_348 = arith.index_cast %swap3A_347 : i32 to index
      %swap3A_349 = memref.load %arg17[%swap3A_348] : memref<104xi32, #tpu.memory_space<smem>>
      memref.store %swap3A_346, %arg17[%swap3A_348] : memref<104xi32, #tpu.memory_space<smem>>
      %swap3A_350 = arith.constant 0 : i32
      %swap3A_351 = arith.constant 78 : i32
      %swap3A_352 = arith.index_cast %swap3A_351 : i32 to index
      %swap3A_353 = memref.load %arg17[%swap3A_352] : memref<104xi32, #tpu.memory_space<smem>>
      memref.store %swap3A_350, %arg17[%swap3A_352] : memref<104xi32, #tpu.memory_space<smem>>
      %swap3A_354 = arith.constant 0 : i32
      %swap3A_355 = arith.constant 79 : i32
      %swap3A_356 = arith.index_cast %swap3A_355 : i32 to index
      %swap3A_357 = memref.load %arg17[%swap3A_356] : memref<104xi32, #tpu.memory_space<smem>>
      memref.store %swap3A_354, %arg17[%swap3A_356] : memref<104xi32, #tpu.memory_space<smem>>
      %swap3A_358 = arith.constant 0 : i32
      %swap3A_359 = arith.constant 80 : i32
      %swap3A_360 = arith.index_cast %swap3A_359 : i32 to index
      %swap3A_361 = memref.load %arg17[%swap3A_360] : memref<104xi32, #tpu.memory_space<smem>>
      memref.store %swap3A_358, %arg17[%swap3A_360] : memref<104xi32, #tpu.memory_space<smem>>
      %swap3A_362 = arith.constant 0 : i32
      %swap3A_363 = arith.constant 81 : i32
      %swap3A_364 = arith.index_cast %swap3A_363 : i32 to index
      %swap3A_365 = memref.load %arg17[%swap3A_364] : memref<104xi32, #tpu.memory_space<smem>>
      memref.store %swap3A_362, %arg17[%swap3A_364] : memref<104xi32, #tpu.memory_space<smem>>
      %swap3A_366 = arith.constant 0 : i32
      %swap3A_367 = arith.constant 82 : i32
      %swap3A_368 = arith.index_cast %swap3A_367 : i32 to index
      %swap3A_369 = memref.load %arg17[%swap3A_368] : memref<104xi32, #tpu.memory_space<smem>>
      memref.store %swap3A_366, %arg17[%swap3A_368] : memref<104xi32, #tpu.memory_space<smem>>
      %swap3A_370 = arith.constant 0 : i32
      %swap3A_371 = arith.constant 83 : i32
      %swap3A_372 = arith.index_cast %swap3A_371 : i32 to index
      %swap3A_373 = memref.load %arg17[%swap3A_372] : memref<104xi32, #tpu.memory_space<smem>>
      memref.store %swap3A_370, %arg17[%swap3A_372] : memref<104xi32, #tpu.memory_space<smem>>
      %swap3A_374 = arith.constant 0 : i32
      %swap3A_375 = arith.constant 84 : i32
      %swap3A_376 = arith.index_cast %swap3A_375 : i32 to index
      %swap3A_377 = memref.load %arg17[%swap3A_376] : memref<104xi32, #tpu.memory_space<smem>>
      memref.store %swap3A_374, %arg17[%swap3A_376] : memref<104xi32, #tpu.memory_space<smem>>
      %swap3A_378 = arith.constant 0 : i32
      %swap3A_379 = arith.constant 85 : i32
      %swap3A_380 = arith.index_cast %swap3A_379 : i32 to index
      %swap3A_381 = memref.load %arg17[%swap3A_380] : memref<104xi32, #tpu.memory_space<smem>>
      memref.store %swap3A_378, %arg17[%swap3A_380] : memref<104xi32, #tpu.memory_space<smem>>
      %swap3A_382 = arith.constant 0 : i32
      %swap3A_383 = arith.constant 86 : i32
      %swap3A_384 = arith.index_cast %swap3A_383 : i32 to index
      %swap3A_385 = memref.load %arg17[%swap3A_384] : memref<104xi32, #tpu.memory_space<smem>>
      memref.store %swap3A_382, %arg17[%swap3A_384] : memref<104xi32, #tpu.memory_space<smem>>
      %swap3A_386 = arith.constant 0 : i32
      %swap3A_387 = arith.constant 87 : i32
      %swap3A_388 = arith.index_cast %swap3A_387 : i32 to index
      %swap3A_389 = memref.load %arg17[%swap3A_388] : memref<104xi32, #tpu.memory_space<smem>>
      memref.store %swap3A_386, %arg17[%swap3A_388] : memref<104xi32, #tpu.memory_space<smem>>
      %swap3A_390 = arith.constant 0 : i32
      %swap3A_391 = arith.constant 88 : i32
      %swap3A_392 = arith.index_cast %swap3A_391 : i32 to index
      %swap3A_393 = memref.load %arg17[%swap3A_392] : memref<104xi32, #tpu.memory_space<smem>>
      memref.store %swap3A_390, %arg17[%swap3A_392] : memref<104xi32, #tpu.memory_space<smem>>
      %swap3A_394 = arith.constant 0 : i32
      %swap3A_395 = arith.constant 89 : i32
      %swap3A_396 = arith.index_cast %swap3A_395 : i32 to index
      %swap3A_397 = memref.load %arg17[%swap3A_396] : memref<104xi32, #tpu.memory_space<smem>>
      memref.store %swap3A_394, %arg17[%swap3A_396] : memref<104xi32, #tpu.memory_space<smem>>
      %swap3A_398 = arith.constant 0 : i32
      %swap3A_399 = arith.constant 90 : i32
      %swap3A_400 = arith.index_cast %swap3A_399 : i32 to index
      %swap3A_401 = memref.load %arg17[%swap3A_400] : memref<104xi32, #tpu.memory_space<smem>>
      memref.store %swap3A_398, %arg17[%swap3A_400] : memref<104xi32, #tpu.memory_space<smem>>
      %swap3A_402 = arith.constant 0 : i32
      %swap3A_403 = arith.constant 91 : i32
      %swap3A_404 = arith.index_cast %swap3A_403 : i32 to index
      %swap3A_405 = memref.load %arg17[%swap3A_404] : memref<104xi32, #tpu.memory_space<smem>>
      memref.store %swap3A_402, %arg17[%swap3A_404] : memref<104xi32, #tpu.memory_space<smem>>
      %swap3A_406 = arith.constant 0 : i32
      %swap3A_407 = arith.constant 92 : i32
      %swap3A_408 = arith.index_cast %swap3A_407 : i32 to index
      %swap3A_409 = memref.load %arg17[%swap3A_408] : memref<104xi32, #tpu.memory_space<smem>>
      memref.store %swap3A_406, %arg17[%swap3A_408] : memref<104xi32, #tpu.memory_space<smem>>
      %swap3A_410 = arith.constant 0 : i32
      %swap3A_411 = arith.constant 93 : i32
      %swap3A_412 = arith.index_cast %swap3A_411 : i32 to index
      %swap3A_413 = memref.load %arg17[%swap3A_412] : memref<104xi32, #tpu.memory_space<smem>>
      memref.store %swap3A_410, %arg17[%swap3A_412] : memref<104xi32, #tpu.memory_space<smem>>
      %swap3A_414 = arith.constant 0 : i32
      %swap3A_415 = arith.constant 94 : i32
      %swap3A_416 = arith.index_cast %swap3A_415 : i32 to index
      %swap3A_417 = memref.load %arg17[%swap3A_416] : memref<104xi32, #tpu.memory_space<smem>>
      memref.store %swap3A_414, %arg17[%swap3A_416] : memref<104xi32, #tpu.memory_space<smem>>
      %swap3A_418 = arith.constant 0 : i32
      %swap3A_419 = arith.constant 95 : i32
      %swap3A_420 = arith.index_cast %swap3A_419 : i32 to index
      %swap3A_421 = memref.load %arg17[%swap3A_420] : memref<104xi32, #tpu.memory_space<smem>>
      memref.store %swap3A_418, %arg17[%swap3A_420] : memref<104xi32, #tpu.memory_space<smem>>
      %swap3A_422 = arith.constant 0 : i32
      %swap3A_423 = arith.constant 96 : i32
      %swap3A_424 = arith.index_cast %swap3A_423 : i32 to index
      %swap3A_425 = memref.load %arg17[%swap3A_424] : memref<104xi32, #tpu.memory_space<smem>>
      memref.store %swap3A_422, %arg17[%swap3A_424] : memref<104xi32, #tpu.memory_space<smem>>
      %swap3A_426 = arith.constant 0 : i32
      %swap3A_427 = arith.constant 97 : i32
      %swap3A_428 = arith.index_cast %swap3A_427 : i32 to index
      %swap3A_429 = memref.load %arg17[%swap3A_428] : memref<104xi32, #tpu.memory_space<smem>>
      memref.store %swap3A_426, %arg17[%swap3A_428] : memref<104xi32, #tpu.memory_space<smem>>
      %swap3A_430 = arith.constant 0 : i32
      %swap3A_431 = arith.constant 98 : i32
      %swap3A_432 = arith.index_cast %swap3A_431 : i32 to index
      %swap3A_433 = memref.load %arg17[%swap3A_432] : memref<104xi32, #tpu.memory_space<smem>>
      memref.store %swap3A_430, %arg17[%swap3A_432] : memref<104xi32, #tpu.memory_space<smem>>
      %swap3A_434 = arith.constant 0 : i32
      %swap3A_435 = arith.constant 99 : i32
      %swap3A_436 = arith.index_cast %swap3A_435 : i32 to index
      %swap3A_437 = memref.load %arg17[%swap3A_436] : memref<104xi32, #tpu.memory_space<smem>>
      memref.store %swap3A_434, %arg17[%swap3A_436] : memref<104xi32, #tpu.memory_space<smem>>
      %swap3A_438 = arith.constant 0 : i32
      %swap3A_439 = arith.constant 100 : i32
      %swap3A_440 = arith.index_cast %swap3A_439 : i32 to index
      %swap3A_441 = memref.load %arg17[%swap3A_440] : memref<104xi32, #tpu.memory_space<smem>>
      memref.store %swap3A_438, %arg17[%swap3A_440] : memref<104xi32, #tpu.memory_space<smem>>
      %swap3A_442 = arith.constant 0 : i32
      %swap3A_443 = arith.constant 101 : i32
      %swap3A_444 = arith.index_cast %swap3A_443 : i32 to index
      %swap3A_445 = memref.load %arg17[%swap3A_444] : memref<104xi32, #tpu.memory_space<smem>>
      memref.store %swap3A_442, %arg17[%swap3A_444] : memref<104xi32, #tpu.memory_space<smem>>
      %swap3A_446 = arith.constant 0 : i32
      %swap3A_447 = arith.constant 102 : i32
      %swap3A_448 = arith.index_cast %swap3A_447 : i32 to index
      %swap3A_449 = memref.load %arg17[%swap3A_448] : memref<104xi32, #tpu.memory_space<smem>>
      memref.store %swap3A_446, %arg17[%swap3A_448] : memref<104xi32, #tpu.memory_space<smem>>
      %swap3A_450 = arith.constant 0 : i32
      %swap3A_451 = arith.constant 103 : i32
      %swap3A_452 = arith.index_cast %swap3A_451 : i32 to index
      %swap3A_453 = memref.load %arg17[%swap3A_452] : memref<104xi32, #tpu.memory_space<smem>>
      memref.store %swap3A_450, %arg17[%swap3A_452] : memref<104xi32, #tpu.memory_space<smem>>
    } else {
    }
    "tpu.region"() ({
      %run_scoped3A = tpu.sem_alloc : memref<!tpu.dma_semaphore, #tpu.memory_space<semaphore_mem>>
      %dma_start3A = tpu.memref_slice %arg2[%mul3A_0] : memref<20480xf32, #tpu.memory_space<hbm>> -> memref<1280xf32, #tpu.memory_space<hbm>>
      %dma_start3A_39 = tpu.memref_slice %arg2[%mul3A_0] : memref<20480xf32, #tpu.memory_space<hbm>> -> memref<1280xf32, #tpu.memory_space<hbm>>
      tpu.enqueue_dma source(%dma_start3A_39 : memref<1280xf32, #tpu.memory_space<hbm>>) target(%arg9 : memref<1280xf32, #tpu.memory_space<vmem>>) target_semaphore(%run_scoped3A : memref<!tpu.dma_semaphore, #tpu.memory_space<semaphore_mem>>)
      %dma_wait3A = tpu.memref_slice %arg2[%mul3A_0] : memref<20480xf32, #tpu.memory_space<hbm>> -> memref<1280xf32, #tpu.memory_space<hbm>>
      %dma_wait3A_40 = tpu.memref_slice %arg2[%mul3A_0] : memref<20480xf32, #tpu.memory_space<hbm>> -> memref<1280xf32, #tpu.memory_space<hbm>>
      tpu.wait_dma2 semaphore(%run_scoped3A : memref<!tpu.dma_semaphore, #tpu.memory_space<semaphore_mem>>) src(%dma_wait3A_40 : memref<1280xf32, #tpu.memory_space<hbm>>) dst(%arg9 : memref<1280xf32, #tpu.memory_space<vmem>>)
      tpu.yield
    }) : () -> ()
    "tpu.region"() ({
      %run_scoped3A = tpu.sem_alloc : memref<!tpu.dma_semaphore, #tpu.memory_space<semaphore_mem>>
      %dma_start3A = tpu.memref_slice %arg3[%mul3A_0] : memref<20480xf32, #tpu.memory_space<hbm>> -> memref<1280xf32, #tpu.memory_space<hbm>>
      %dma_start3A_39 = tpu.memref_slice %arg3[%mul3A_0] : memref<20480xf32, #tpu.memory_space<hbm>> -> memref<1280xf32, #tpu.memory_space<hbm>>
      tpu.enqueue_dma source(%dma_start3A_39 : memref<1280xf32, #tpu.memory_space<hbm>>) target(%arg10 : memref<1280xf32, #tpu.memory_space<vmem>>) target_semaphore(%run_scoped3A : memref<!tpu.dma_semaphore, #tpu.memory_space<semaphore_mem>>)
      %dma_wait3A = tpu.memref_slice %arg3[%mul3A_0] : memref<20480xf32, #tpu.memory_space<hbm>> -> memref<1280xf32, #tpu.memory_space<hbm>>
      %dma_wait3A_40 = tpu.memref_slice %arg3[%mul3A_0] : memref<20480xf32, #tpu.memory_space<hbm>> -> memref<1280xf32, #tpu.memory_space<hbm>>
      tpu.wait_dma2 semaphore(%run_scoped3A : memref<!tpu.dma_semaphore, #tpu.memory_space<semaphore_mem>>) src(%dma_wait3A_40 : memref<1280xf32, #tpu.memory_space<hbm>>) dst(%arg10 : memref<1280xf32, #tpu.memory_space<vmem>>)
      tpu.yield
    }) : () -> ()
    "tpu.region"() ({
      %run_scoped3A = tpu.sem_alloc : memref<!tpu.dma_semaphore, #tpu.memory_space<semaphore_mem>>
      %dma_start3A = tpu.memref_slice %arg4[%mul3A_0] : memref<20480xf32, #tpu.memory_space<hbm>> -> memref<1280xf32, #tpu.memory_space<hbm>>
      %dma_start3A_39 = tpu.memref_slice %arg4[%mul3A_0] : memref<20480xf32, #tpu.memory_space<hbm>> -> memref<1280xf32, #tpu.memory_space<hbm>>
      tpu.enqueue_dma source(%dma_start3A_39 : memref<1280xf32, #tpu.memory_space<hbm>>) target(%arg11 : memref<1280xf32, #tpu.memory_space<vmem>>) target_semaphore(%run_scoped3A : memref<!tpu.dma_semaphore, #tpu.memory_space<semaphore_mem>>)
      %dma_wait3A = tpu.memref_slice %arg4[%mul3A_0] : memref<20480xf32, #tpu.memory_space<hbm>> -> memref<1280xf32, #tpu.memory_space<hbm>>
      %dma_wait3A_40 = tpu.memref_slice %arg4[%mul3A_0] : memref<20480xf32, #tpu.memory_space<hbm>> -> memref<1280xf32, #tpu.memory_space<hbm>>
      tpu.wait_dma2 semaphore(%run_scoped3A : memref<!tpu.dma_semaphore, #tpu.memory_space<semaphore_mem>>) src(%dma_wait3A_40 : memref<1280xf32, #tpu.memory_space<hbm>>) dst(%arg11 : memref<1280xf32, #tpu.memory_space<vmem>>)
      tpu.yield
    }) : () -> ()
    "tpu.region"() ({
      %run_scoped3A = tpu.sem_alloc : memref<!tpu.dma_semaphore, #tpu.memory_space<semaphore_mem>>
      %dma_start3A = tpu.memref_slice %arg5[%mul3A_0] : memref<20480xf32, #tpu.memory_space<hbm>> -> memref<1280xf32, #tpu.memory_space<hbm>>
      %dma_start3A_39 = tpu.memref_slice %arg5[%mul3A_0] : memref<20480xf32, #tpu.memory_space<hbm>> -> memref<1280xf32, #tpu.memory_space<hbm>>
      tpu.enqueue_dma source(%dma_start3A_39 : memref<1280xf32, #tpu.memory_space<hbm>>) target(%arg12 : memref<1280xf32, #tpu.memory_space<vmem>>) target_semaphore(%run_scoped3A : memref<!tpu.dma_semaphore, #tpu.memory_space<semaphore_mem>>)
      %dma_wait3A = tpu.memref_slice %arg5[%mul3A_0] : memref<20480xf32, #tpu.memory_space<hbm>> -> memref<1280xf32, #tpu.memory_space<hbm>>
      %dma_wait3A_40 = tpu.memref_slice %arg5[%mul3A_0] : memref<20480xf32, #tpu.memory_space<hbm>> -> memref<1280xf32, #tpu.memory_space<hbm>>
      tpu.wait_dma2 semaphore(%run_scoped3A : memref<!tpu.dma_semaphore, #tpu.memory_space<semaphore_mem>>) src(%dma_wait3A_40 : memref<1280xf32, #tpu.memory_space<hbm>>) dst(%arg12 : memref<1280xf32, #tpu.memory_space<vmem>>)
      tpu.yield
    }) : () -> ()
    "tpu.region"() ({
      %run_scoped3A = tpu.sem_alloc : memref<!tpu.dma_semaphore, #tpu.memory_space<semaphore_mem>>
      %dma_start3A = tpu.memref_slice %arg6[%mul3A_0] : memref<20480xf32, #tpu.memory_space<hbm>> -> memref<1280xf32, #tpu.memory_space<hbm>>
      %dma_start3A_39 = tpu.memref_slice %arg6[%mul3A_0] : memref<20480xf32, #tpu.memory_space<hbm>> -> memref<1280xf32, #tpu.memory_space<hbm>>
      tpu.enqueue_dma source(%dma_start3A_39 : memref<1280xf32, #tpu.memory_space<hbm>>) target(%arg13 : memref<1280xf32, #tpu.memory_space<vmem>>) target_semaphore(%run_scoped3A : memref<!tpu.dma_semaphore, #tpu.memory_space<semaphore_mem>>)
      %dma_wait3A = tpu.memref_slice %arg6[%mul3A_0] : memref<20480xf32, #tpu.memory_space<hbm>> -> memref<1280xf32, #tpu.memory_space<hbm>>
      %dma_wait3A_40 = tpu.memref_slice %arg6[%mul3A_0] : memref<20480xf32, #tpu.memory_space<hbm>> -> memref<1280xf32, #tpu.memory_space<hbm>>
      tpu.wait_dma2 semaphore(%run_scoped3A : memref<!tpu.dma_semaphore, #tpu.memory_space<semaphore_mem>>) src(%dma_wait3A_40 : memref<1280xf32, #tpu.memory_space<hbm>>) dst(%arg13 : memref<1280xf32, #tpu.memory_space<vmem>>)
      tpu.yield
    }) : () -> ()
    %iota3A = tpu.iota {dimensions = array<i32: 0>} : vector<16xi32>
    %scan3A = arith.constant 0 : i32
    %scan3A_3 = arith.constant 0 : i32
    %scan3A_4 = arith.constant 80 : i32
    %scan3A_5 = arith.addi %scan3A_3, %scan3A_4 : i32
    %scan3A_6 = arith.constant 1 : i32
    %scan3A_7 = scf.for %scan3A_39 = %scan3A_3 to %scan3A_5 step %scan3A_6 iter_args(%scan3A_40 = %scan3A) -> (i32)  : i32 {
      %mul3A_41 = arith.constant 16 : i32
      %mul3A_42 = arith.muli %scan3A_39, %mul3A_41 : i32
      %get3A = arith.index_cast %mul3A_42 : i32 to index
      %get3A_43 = tpu.vector_load %arg11[%get3A] {strides = array<i32>} : memref<1280xf32, #tpu.memory_space<vmem>>, vector<16xf32>,
      %get3A_44 = arith.index_cast %mul3A_42 : i32 to index
      %get3A_45 = tpu.vector_load %arg9[%get3A_44] {strides = array<i32>} : memref<1280xf32, #tpu.memory_space<vmem>>, vector<16xf32>,
      %sub3A = arith.subf %get3A_43, %get3A_45 : vector<16xf32>
      %get3A_46 = arith.index_cast %mul3A_42 : i32 to index
      %get3A_47 = tpu.vector_load %arg12[%get3A_46] {strides = array<i32>} : memref<1280xf32, #tpu.memory_space<vmem>>, vector<16xf32>,
      %get3A_48 = arith.index_cast %mul3A_42 : i32 to index
      %get3A_49 = tpu.vector_load %arg10[%get3A_48] {strides = array<i32>} : memref<1280xf32, #tpu.memory_space<vmem>>, vector<16xf32>,
      %sub3A_50 = arith.subf %get3A_47, %get3A_49 : vector<16xf32>
      %mul3A_51 = arith.mulf %sub3A, %sub3A_50 : vector<16xf32>
      %swap3A = arith.index_cast %mul3A_42 : i32 to index
      %swap3A_52 = tpu.vector_load %arg14[%swap3A] {strides = array<i32>} : memref<1280xf32, #tpu.memory_space<vmem>>, vector<16xf32>,
      tpu.vector_store %arg14[%swap3A], %mul3A_51 {strides = array<i32>} : memref<1280xf32, #tpu.memory_space<vmem>>, vector<16xf32>,
      %scan3A_53 = arith.constant 0 : i32
      scf.yield %scan3A_53 : i32
    }
    %scan3A_8 = arith.constant 80 : i32
    %sc_fetch_and_add3A = arith.constant 1 : i32
    %sc_fetch_and_add3A_9 = arith.constant 0 : i32
    %sc_fetch_and_add3A_10 = arith.constant 0 : i32
    %sc_fetch_and_add3A_11 = tpu.fetch_and_add_sync %arg17[%sc_fetch_and_add3A_9], %sc_fetch_and_add3A, %sc_fetch_and_add3A_10 : memref<104xi32, #tpu.memory_space<smem>>, i32 -> i32
    %while3A = arith.constant 0 : i32
    %while3A_12 = scf.while (%while3A_39 = %while3A) : (i32) -> i32 {
      %lt3A = arith.constant 16 : i32
      %lt3A_40 = arith.cmpi slt, %while3A_39, %lt3A : i32
      scf.condition(%lt3A_40) %while3A_39 : i32
    } do {
    ^bb0(%while3A_39: i32):
      %sc_fetch_and_add3A_40 = arith.constant 0 : i32
      %sc_fetch_and_add3A_41 = arith.constant 0 : i32
      %sc_fetch_and_add3A_42 = arith.constant 0 : i32
      %sc_fetch_and_add3A_43 = tpu.fetch_and_add_sync %arg17[%sc_fetch_and_add3A_41], %sc_fetch_and_add3A_40, %sc_fetch_and_add3A_42 : memref<104xi32, #tpu.memory_space<smem>>, i32 -> i32
      scf.yield %sc_fetch_and_add3A_43 : i32
    }
    %broadcast_in_dim3A = arith.constant 0.000000e+00 : f32
    %broadcast_in_dim3A_13 = vector.broadcast %broadcast_in_dim3A : f32 to vector<16xf32>
    %broadcast_in_dim3A_14 = arith.constant 0.000000e+00 : f32
    %broadcast_in_dim3A_15 = vector.broadcast %broadcast_in_dim3A_14 : f32 to vector<16xf32>
    %broadcast_in_dim3A_16 = arith.constant 0.000000e+00 : f32
    %broadcast_in_dim3A_17 = vector.broadcast %broadcast_in_dim3A_16 : f32 to vector<16xf32>
    %broadcast_in_dim3A_18 = arith.constant 0.000000e+00 : f32
    %broadcast_in_dim3A_19 = vector.broadcast %broadcast_in_dim3A_18 : f32 to vector<16xf32>
    %broadcast_in_dim3A_20 = arith.constant -1 : i32
    %broadcast_in_dim3A_21 = vector.broadcast %broadcast_in_dim3A_20 : i32 to vector<16xi32>
    %scan3A_22 = arith.constant 0 : i32
    %scan3A_23 = arith.constant 0 : i32
    %scan3A_24 = arith.constant 0 : i32
    %scan3A_25 = arith.constant 0 : i32
    %scan3A_26 = arith.constant 0 : i32
    %scan3A_27 = arith.constant 0 : i32
    %scan3A_28 = arith.constant 0 : i32
    %scan3A_29 = arith.constant 300 : i32
    %scan3A_30 = arith.addi %scan3A_28, %scan3A_29 : i32
    %scan3A_31 = arith.constant 1 : i32
    %scan3A_32:11 = scf.for %scan3A_39 = %scan3A_28 to %scan3A_30 step %scan3A_31 iter_args(%scan3A_40 = %broadcast_in_dim3A_13, %scan3A_41 = %broadcast_in_dim3A_15, %scan3A_42 = %broadcast_in_dim3A_17, %scan3A_43 = %broadcast_in_dim3A_19, %scan3A_44 = %broadcast_in_dim3A_21, %scan3A_45 = %scan3A_22, %scan3A_46 = %scan3A_23, %scan3A_47 = %scan3A_24, %scan3A_48 = %scan3A_25, %scan3A_49 = %scan3A_26, %scan3A_50 = %scan3A_27) -> (vector<16xf32>, vector<16xf32>, vector<16xf32>, vector<16xf32>, vector<16xi32>, i32, i32, i32, i32, i32, i32)  : i32 {
      %sub3A = arith.subf %scan3A_42, %scan3A_40 : vector<16xf32>
      %sub3A_51 = arith.subf %scan3A_43, %scan3A_41 : vector<16xf32>
      %mul3A_52 = arith.mulf %sub3A, %sub3A_51 : vector<16xf32>
      %ge3A = vector.broadcast %mul3A_0 : i32 to vector<16xi32>
      %ge3A_53 = arith.cmpi sge, %scan3A_44, %ge3A : vector<16xi32>
      %add3A = arith.constant 1280 : i32
      %add3A_54 = arith.addi %mul3A_0, %add3A : i32
      %lt3A = vector.broadcast %add3A_54 : i32 to vector<16xi32>
      %lt3A_55 = arith.cmpi slt, %scan3A_44, %lt3A : vector<16xi32>
      %and3A = arith.andi %ge3A_53, %lt3A_55 : vector<16xi1>
      %eq3A_56 = arith.constant 0 : i32
      %eq3A_57 = vector.broadcast %eq3A_56 : i32 to vector<16xi32>
      %eq3A_58 = arith.cmpi eq, %iota3A, %eq3A_57 : vector<16xi32>
      %and3A_59 = arith.andi %and3A, %eq3A_58 : vector<16xi1>
      %sub3A_60 = vector.broadcast %mul3A_0 : i32 to vector<16xi32>
      %sub3A_61 = arith.subi %scan3A_44, %sub3A_60 : vector<16xi32>
      %jit3A = arith.constant 0 : i32
      %jit3A_62 = arith.constant 1279 : i32
      %max3A = vector.broadcast %jit3A : i32 to vector<16xi32>
      %max3A_63 = arith.maxsi %max3A, %sub3A_61 : vector<16xi32>
      %min3A = vector.broadcast %jit3A_62 : i32 to vector<16xi32>
      %min3A_64 = arith.minsi %min3A, %max3A_63 : vector<16xi32>
      %broadcast_in_dim3A_65 = arith.constant 0xFF800000 : f32
      %broadcast_in_dim3A_66 = vector.broadcast %broadcast_in_dim3A_65 : f32 to vector<16xf32>
      tpu.vector_store_idx %arg13[%min3A_64], %broadcast_in_dim3A_66 masked %and3A_59 : memref<1280xf32, #tpu.memory_space<vmem>>[vector<16xi32>], vector<16xf32>, vector<16xi1>
      %broadcast_in_dim3A_67 = arith.constant 0xFF800000 : f32
      %broadcast_in_dim3A_68 = vector.broadcast %broadcast_in_dim3A_67 : f32 to vector<16xf32>
      %broadcast_in_dim3A_69 = arith.constant 1073741824 : i32
      %broadcast_in_dim3A_70 = vector.broadcast %broadcast_in_dim3A_69 : i32 to vector<16xi32>
      %add3A_71 = vector.broadcast %mul3A_0 : i32 to vector<16xi32>
      %add3A_72 = arith.addi %add3A_71, %iota3A : vector<16xi32>
      %scan3A_73 = arith.constant 0 : i32
      %scan3A_74 = arith.constant 20 : i32
      %scan3A_75 = arith.addi %scan3A_73, %scan3A_74 : i32
      %scan3A_76 = arith.constant 1 : i32
      %scan3A_77:3 = scf.for %scan3A_259 = %scan3A_73 to %scan3A_75 step %scan3A_76 iter_args(%scan3A_260 = %broadcast_in_dim3A_68, %scan3A_261 = %broadcast_in_dim3A_70, %scan3A_262 = %add3A_72) -> (vector<16xf32>, vector<16xi32>, vector<16xi32>)  : i32 {
        %mul3A_263 = arith.constant 64 : i32
        %mul3A_264 = arith.muli %scan3A_259, %mul3A_263 : i32
        %get3A = arith.index_cast %mul3A_264 : i32 to index
        %get3A_265 = tpu.vector_load %arg9[%get3A] {strides = array<i32>} : memref<1280xf32, #tpu.memory_space<vmem>>, vector<16xf32>,
        %get3A_266 = arith.index_cast %mul3A_264 : i32 to index
        %get3A_267 = tpu.vector_load %arg10[%get3A_266] {strides = array<i32>} : memref<1280xf32, #tpu.memory_space<vmem>>, vector<16xf32>,
        %get3A_268 = arith.index_cast %mul3A_264 : i32 to index
        %get3A_269 = tpu.vector_load %arg11[%get3A_268] {strides = array<i32>} : memref<1280xf32, #tpu.memory_space<vmem>>, vector<16xf32>,
        %get3A_270 = arith.index_cast %mul3A_264 : i32 to index
        %get3A_271 = tpu.vector_load %arg12[%get3A_270] {strides = array<i32>} : memref<1280xf32, #tpu.memory_space<vmem>>, vector<16xf32>,
        %get3A_272 = arith.index_cast %mul3A_264 : i32 to index
        %get3A_273 = tpu.vector_load %arg13[%get3A_272] {strides = array<i32>} : memref<1280xf32, #tpu.memory_space<vmem>>, vector<16xf32>,
        %get3A_274 = arith.index_cast %mul3A_264 : i32 to index
        %get3A_275 = tpu.vector_load %arg14[%get3A_274] {strides = array<i32>} : memref<1280xf32, #tpu.memory_space<vmem>>, vector<16xf32>,
        %max3A_276 = arith.maximumf %scan3A_40, %get3A_265 : vector<16xf32>
        %max3A_277 = arith.maximumf %scan3A_41, %get3A_267 : vector<16xf32>
        %min3A_278 = arith.minimumf %scan3A_42, %get3A_269 : vector<16xf32>
        %min3A_279 = arith.minimumf %scan3A_43, %get3A_271 : vector<16xf32>
        %sub3A_280 = arith.subf %min3A_278, %max3A_276 : vector<16xf32>
        %max3A_281 = arith.constant 0.000000e+00 : f32
        %max3A_282 = vector.broadcast %max3A_281 : f32 to vector<16xf32>
        %max3A_283 = arith.maximumf %sub3A_280, %max3A_282 : vector<16xf32>
        %sub3A_284 = arith.subf %min3A_279, %max3A_277 : vector<16xf32>
        %max3A_285 = arith.constant 0.000000e+00 : f32
        %max3A_286 = vector.broadcast %max3A_285 : f32 to vector<16xf32>
        %max3A_287 = arith.maximumf %sub3A_284, %max3A_286 : vector<16xf32>
        %mul3A_288 = arith.mulf %max3A_283, %max3A_287 : vector<16xf32>
        %add3A_289 = arith.addf %mul3A_52, %get3A_275 : vector<16xf32>
        %sub3A_290 = arith.subf %add3A_289, %mul3A_288 : vector<16xf32>
        %div3A = arith.divf %mul3A_288, %sub3A_290 : vector<16xf32>
        %gt3A_291 = arith.constant 0.699999988 : f32
        %gt3A_292 = vector.broadcast %gt3A_291 : f32 to vector<16xf32>
        %gt3A_293 = arith.cmpf ogt, %div3A, %gt3A_292 : vector<16xf32>
        %jit3A_294 = arith.constant 0xFF800000 : f32
        %broadcast_in_dim3A_295 = vector.broadcast %jit3A_294 : f32 to vector<16xf32>
        %select_n3A_296 = arith.select %gt3A_293, %broadcast_in_dim3A_295, %get3A_273 : vector<16xi1>, vector<16xf32>
        %swap3A = arith.index_cast %mul3A_264 : i32 to index
        %swap3A_297 = tpu.vector_load %arg13[%swap3A] {strides = array<i32>} : memref<1280xf32, #tpu.memory_space<vmem>>, vector<16xf32>,
        tpu.vector_store %arg13[%swap3A], %select_n3A_296 {strides = array<i32>} : memref<1280xf32, #tpu.memory_space<vmem>>, vector<16xf32>,
        %gt3A_298 = arith.cmpf ogt, %select_n3A_296, %scan3A_260 : vector<16xf32>
        %max3A_299 = arith.maximumf %scan3A_260, %select_n3A_296 : vector<16xf32>
        %select_n3A_300 = arith.select %gt3A_298, %scan3A_262, %scan3A_261 : vector<16xi1>, vector<16xi32>
        %add3A_301 = arith.constant 16 : i32
        %add3A_302 = arith.addi %mul3A_264, %add3A_301 : i32
        %add3A_303 = arith.constant 16 : i32
        %add3A_304 = vector.broadcast %add3A_303 : i32 to vector<16xi32>
        %add3A_305 = arith.addi %scan3A_262, %add3A_304 : vector<16xi32>
        %get3A_306 = arith.index_cast %add3A_302 : i32 to index
        %get3A_307 = tpu.vector_load %arg9[%get3A_306] {strides = array<i32>} : memref<1280xf32, #tpu.memory_space<vmem>>, vector<16xf32>,
        %get3A_308 = arith.index_cast %add3A_302 : i32 to index
        %get3A_309 = tpu.vector_load %arg10[%get3A_308] {strides = array<i32>} : memref<1280xf32, #tpu.memory_space<vmem>>, vector<16xf32>,
        %get3A_310 = arith.index_cast %add3A_302 : i32 to index
        %get3A_311 = tpu.vector_load %arg11[%get3A_310] {strides = array<i32>} : memref<1280xf32, #tpu.memory_space<vmem>>, vector<16xf32>,
        %get3A_312 = arith.index_cast %add3A_302 : i32 to index
        %get3A_313 = tpu.vector_load %arg12[%get3A_312] {strides = array<i32>} : memref<1280xf32, #tpu.memory_space<vmem>>, vector<16xf32>,
        %get3A_314 = arith.index_cast %add3A_302 : i32 to index
        %get3A_315 = tpu.vector_load %arg13[%get3A_314] {strides = array<i32>} : memref<1280xf32, #tpu.memory_space<vmem>>, vector<16xf32>,
        %get3A_316 = arith.index_cast %add3A_302 : i32 to index
        %get3A_317 = tpu.vector_load %arg14[%get3A_316] {strides = array<i32>} : memref<1280xf32, #tpu.memory_space<vmem>>, vector<16xf32>,
        %max3A_318 = arith.maximumf %scan3A_40, %get3A_307 : vector<16xf32>
        %max3A_319 = arith.maximumf %scan3A_41, %get3A_309 : vector<16xf32>
        %min3A_320 = arith.minimumf %scan3A_42, %get3A_311 : vector<16xf32>
        %min3A_321 = arith.minimumf %scan3A_43, %get3A_313 : vector<16xf32>
        %sub3A_322 = arith.subf %min3A_320, %max3A_318 : vector<16xf32>
        %max3A_323 = arith.constant 0.000000e+00 : f32
        %max3A_324 = vector.broadcast %max3A_323 : f32 to vector<16xf32>
        %max3A_325 = arith.maximumf %sub3A_322, %max3A_324 : vector<16xf32>
        %sub3A_326 = arith.subf %min3A_321, %max3A_319 : vector<16xf32>
        %max3A_327 = arith.constant 0.000000e+00 : f32
        %max3A_328 = vector.broadcast %max3A_327 : f32 to vector<16xf32>
        %max3A_329 = arith.maximumf %sub3A_326, %max3A_328 : vector<16xf32>
        %mul3A_330 = arith.mulf %max3A_325, %max3A_329 : vector<16xf32>
        %add3A_331 = arith.addf %mul3A_52, %get3A_317 : vector<16xf32>
        %sub3A_332 = arith.subf %add3A_331, %mul3A_330 : vector<16xf32>
        %div3A_333 = arith.divf %mul3A_330, %sub3A_332 : vector<16xf32>
        %gt3A_334 = arith.constant 0.699999988 : f32
        %gt3A_335 = vector.broadcast %gt3A_334 : f32 to vector<16xf32>
        %gt3A_336 = arith.cmpf ogt, %div3A_333, %gt3A_335 : vector<16xf32>
        %jit3A_337 = arith.constant 0xFF800000 : f32
        %broadcast_in_dim3A_338 = vector.broadcast %jit3A_337 : f32 to vector<16xf32>
        %select_n3A_339 = arith.select %gt3A_336, %broadcast_in_dim3A_338, %get3A_315 : vector<16xi1>, vector<16xf32>
        %swap3A_340 = arith.index_cast %add3A_302 : i32 to index
        %swap3A_341 = tpu.vector_load %arg13[%swap3A_340] {strides = array<i32>} : memref<1280xf32, #tpu.memory_space<vmem>>, vector<16xf32>,
        tpu.vector_store %arg13[%swap3A_340], %select_n3A_339 {strides = array<i32>} : memref<1280xf32, #tpu.memory_space<vmem>>, vector<16xf32>,
        %gt3A_342 = arith.cmpf ogt, %select_n3A_339, %max3A_299 : vector<16xf32>
        %max3A_343 = arith.maximumf %max3A_299, %select_n3A_339 : vector<16xf32>
        %select_n3A_344 = arith.select %gt3A_342, %add3A_305, %select_n3A_300 : vector<16xi1>, vector<16xi32>
        %add3A_345 = arith.constant 32 : i32
        %add3A_346 = arith.addi %mul3A_264, %add3A_345 : i32
        %add3A_347 = arith.constant 32 : i32
        %add3A_348 = vector.broadcast %add3A_347 : i32 to vector<16xi32>
        %add3A_349 = arith.addi %scan3A_262, %add3A_348 : vector<16xi32>
        %get3A_350 = arith.index_cast %add3A_346 : i32 to index
        %get3A_351 = tpu.vector_load %arg9[%get3A_350] {strides = array<i32>} : memref<1280xf32, #tpu.memory_space<vmem>>, vector<16xf32>,
        %get3A_352 = arith.index_cast %add3A_346 : i32 to index
        %get3A_353 = tpu.vector_load %arg10[%get3A_352] {strides = array<i32>} : memref<1280xf32, #tpu.memory_space<vmem>>, vector<16xf32>,
        %get3A_354 = arith.index_cast %add3A_346 : i32 to index
        %get3A_355 = tpu.vector_load %arg11[%get3A_354] {strides = array<i32>} : memref<1280xf32, #tpu.memory_space<vmem>>, vector<16xf32>,
        %get3A_356 = arith.index_cast %add3A_346 : i32 to index
        %get3A_357 = tpu.vector_load %arg12[%get3A_356] {strides = array<i32>} : memref<1280xf32, #tpu.memory_space<vmem>>, vector<16xf32>,
        %get3A_358 = arith.index_cast %add3A_346 : i32 to index
        %get3A_359 = tpu.vector_load %arg13[%get3A_358] {strides = array<i32>} : memref<1280xf32, #tpu.memory_space<vmem>>, vector<16xf32>,
        %get3A_360 = arith.index_cast %add3A_346 : i32 to index
        %get3A_361 = tpu.vector_load %arg14[%get3A_360] {strides = array<i32>} : memref<1280xf32, #tpu.memory_space<vmem>>, vector<16xf32>,
        %max3A_362 = arith.maximumf %scan3A_40, %get3A_351 : vector<16xf32>
        %max3A_363 = arith.maximumf %scan3A_41, %get3A_353 : vector<16xf32>
        %min3A_364 = arith.minimumf %scan3A_42, %get3A_355 : vector<16xf32>
        %min3A_365 = arith.minimumf %scan3A_43, %get3A_357 : vector<16xf32>
        %sub3A_366 = arith.subf %min3A_364, %max3A_362 : vector<16xf32>
        %max3A_367 = arith.constant 0.000000e+00 : f32
        %max3A_368 = vector.broadcast %max3A_367 : f32 to vector<16xf32>
        %max3A_369 = arith.maximumf %sub3A_366, %max3A_368 : vector<16xf32>
        %sub3A_370 = arith.subf %min3A_365, %max3A_363 : vector<16xf32>
        %max3A_371 = arith.constant 0.000000e+00 : f32
        %max3A_372 = vector.broadcast %max3A_371 : f32 to vector<16xf32>
        %max3A_373 = arith.maximumf %sub3A_370, %max3A_372 : vector<16xf32>
        %mul3A_374 = arith.mulf %max3A_369, %max3A_373 : vector<16xf32>
        %add3A_375 = arith.addf %mul3A_52, %get3A_361 : vector<16xf32>
        %sub3A_376 = arith.subf %add3A_375, %mul3A_374 : vector<16xf32>
        %div3A_377 = arith.divf %mul3A_374, %sub3A_376 : vector<16xf32>
        %gt3A_378 = arith.constant 0.699999988 : f32
        %gt3A_379 = vector.broadcast %gt3A_378 : f32 to vector<16xf32>
        %gt3A_380 = arith.cmpf ogt, %div3A_377, %gt3A_379 : vector<16xf32>
        %jit3A_381 = arith.constant 0xFF800000 : f32
        %broadcast_in_dim3A_382 = vector.broadcast %jit3A_381 : f32 to vector<16xf32>
        %select_n3A_383 = arith.select %gt3A_380, %broadcast_in_dim3A_382, %get3A_359 : vector<16xi1>, vector<16xf32>
        %swap3A_384 = arith.index_cast %add3A_346 : i32 to index
        %swap3A_385 = tpu.vector_load %arg13[%swap3A_384] {strides = array<i32>} : memref<1280xf32, #tpu.memory_space<vmem>>, vector<16xf32>,
        tpu.vector_store %arg13[%swap3A_384], %select_n3A_383 {strides = array<i32>} : memref<1280xf32, #tpu.memory_space<vmem>>, vector<16xf32>,
        %gt3A_386 = arith.cmpf ogt, %select_n3A_383, %max3A_343 : vector<16xf32>
        %max3A_387 = arith.maximumf %max3A_343, %select_n3A_383 : vector<16xf32>
        %select_n3A_388 = arith.select %gt3A_386, %add3A_349, %select_n3A_344 : vector<16xi1>, vector<16xi32>
        %add3A_389 = arith.constant 48 : i32
        %add3A_390 = arith.addi %mul3A_264, %add3A_389 : i32
        %add3A_391 = arith.constant 48 : i32
        %add3A_392 = vector.broadcast %add3A_391 : i32 to vector<16xi32>
        %add3A_393 = arith.addi %scan3A_262, %add3A_392 : vector<16xi32>
        %get3A_394 = arith.index_cast %add3A_390 : i32 to index
        %get3A_395 = tpu.vector_load %arg9[%get3A_394] {strides = array<i32>} : memref<1280xf32, #tpu.memory_space<vmem>>, vector<16xf32>,
        %get3A_396 = arith.index_cast %add3A_390 : i32 to index
        %get3A_397 = tpu.vector_load %arg10[%get3A_396] {strides = array<i32>} : memref<1280xf32, #tpu.memory_space<vmem>>, vector<16xf32>,
        %get3A_398 = arith.index_cast %add3A_390 : i32 to index
        %get3A_399 = tpu.vector_load %arg11[%get3A_398] {strides = array<i32>} : memref<1280xf32, #tpu.memory_space<vmem>>, vector<16xf32>,
        %get3A_400 = arith.index_cast %add3A_390 : i32 to index
        %get3A_401 = tpu.vector_load %arg12[%get3A_400] {strides = array<i32>} : memref<1280xf32, #tpu.memory_space<vmem>>, vector<16xf32>,
        %get3A_402 = arith.index_cast %add3A_390 : i32 to index
        %get3A_403 = tpu.vector_load %arg13[%get3A_402] {strides = array<i32>} : memref<1280xf32, #tpu.memory_space<vmem>>, vector<16xf32>,
        %get3A_404 = arith.index_cast %add3A_390 : i32 to index
        %get3A_405 = tpu.vector_load %arg14[%get3A_404] {strides = array<i32>} : memref<1280xf32, #tpu.memory_space<vmem>>, vector<16xf32>,
        %max3A_406 = arith.maximumf %scan3A_40, %get3A_395 : vector<16xf32>
        %max3A_407 = arith.maximumf %scan3A_41, %get3A_397 : vector<16xf32>
        %min3A_408 = arith.minimumf %scan3A_42, %get3A_399 : vector<16xf32>
        %min3A_409 = arith.minimumf %scan3A_43, %get3A_401 : vector<16xf32>
        %sub3A_410 = arith.subf %min3A_408, %max3A_406 : vector<16xf32>
        %max3A_411 = arith.constant 0.000000e+00 : f32
        %max3A_412 = vector.broadcast %max3A_411 : f32 to vector<16xf32>
        %max3A_413 = arith.maximumf %sub3A_410, %max3A_412 : vector<16xf32>
        %sub3A_414 = arith.subf %min3A_409, %max3A_407 : vector<16xf32>
        %max3A_415 = arith.constant 0.000000e+00 : f32
        %max3A_416 = vector.broadcast %max3A_415 : f32 to vector<16xf32>
        %max3A_417 = arith.maximumf %sub3A_414, %max3A_416 : vector<16xf32>
        %mul3A_418 = arith.mulf %max3A_413, %max3A_417 : vector<16xf32>
        %add3A_419 = arith.addf %mul3A_52, %get3A_405 : vector<16xf32>
        %sub3A_420 = arith.subf %add3A_419, %mul3A_418 : vector<16xf32>
        %div3A_421 = arith.divf %mul3A_418, %sub3A_420 : vector<16xf32>
        %gt3A_422 = arith.constant 0.699999988 : f32
        %gt3A_423 = vector.broadcast %gt3A_422 : f32 to vector<16xf32>
        %gt3A_424 = arith.cmpf ogt, %div3A_421, %gt3A_423 : vector<16xf32>
        %jit3A_425 = arith.constant 0xFF800000 : f32
        %broadcast_in_dim3A_426 = vector.broadcast %jit3A_425 : f32 to vector<16xf32>
        %select_n3A_427 = arith.select %gt3A_424, %broadcast_in_dim3A_426, %get3A_403 : vector<16xi1>, vector<16xf32>
        %swap3A_428 = arith.index_cast %add3A_390 : i32 to index
        %swap3A_429 = tpu.vector_load %arg13[%swap3A_428] {strides = array<i32>} : memref<1280xf32, #tpu.memory_space<vmem>>, vector<16xf32>,
        tpu.vector_store %arg13[%swap3A_428], %select_n3A_427 {strides = array<i32>} : memref<1280xf32, #tpu.memory_space<vmem>>, vector<16xf32>,
        %gt3A_430 = arith.cmpf ogt, %select_n3A_427, %max3A_387 : vector<16xf32>
        %max3A_431 = arith.maximumf %max3A_387, %select_n3A_427 : vector<16xf32>
        %select_n3A_432 = arith.select %gt3A_430, %add3A_393, %select_n3A_388 : vector<16xi1>, vector<16xi32>
        %add3A_433 = arith.constant 64 : i32
        %add3A_434 = vector.broadcast %add3A_433 : i32 to vector<16xi32>
        %add3A_435 = arith.addi %scan3A_262, %add3A_434 : vector<16xi32>
        scf.yield %max3A_431, %select_n3A_432, %add3A_435 : vector<16xf32>, vector<16xi32>, vector<16xi32>
      }
      %scan3A_78 = arith.constant 20 : i32
      %reduce_max3A = arith.constant true
      %reduce_max3A_79 = vector.broadcast %reduce_max3A : i1 to vector<16xi1>
      %reduce_max3A_80 = tpu.scan <max>, %scan3A_77#0 masked %reduce_max3A_79 : vector<16xf32>, vector<16xi1> -> vector<16xf32>
      %reduce_max3A_81 = vector.extract %reduce_max3A_80[15] : f32 from vector<16xf32>
      %eq3A_82 = vector.broadcast %reduce_max3A_81 : f32 to vector<16xf32>
      %eq3A_83 = arith.cmpf oeq, %scan3A_77#0, %eq3A_82 : vector<16xf32>
      %jit3A_84 = arith.constant 1073741824 : i32
      %broadcast_in_dim3A_85 = vector.broadcast %jit3A_84 : i32 to vector<16xi32>
      %select_n3A = arith.select %eq3A_83, %scan3A_77#1, %broadcast_in_dim3A_85 : vector<16xi1>, vector<16xi32>
      %reduce_min3A = arith.constant true
      %reduce_min3A_86 = vector.broadcast %reduce_min3A : i1 to vector<16xi1>
      %reduce_min3A_87 = arith.constant -2147483648 : i32
      %reduce_min3A_88 = vector.broadcast %reduce_min3A_87 : i32 to vector<16xi32>
      %reduce_min3A_89 = arith.xori %select_n3A, %reduce_min3A_88 : vector<16xi32>
      %reduce_min3A_90 = tpu.scan <min>, %reduce_min3A_89 masked %reduce_min3A_86 : vector<16xi32>, vector<16xi1> -> vector<16xi32>
      %reduce_min3A_91 = arith.xori %reduce_min3A_90, %reduce_min3A_88 : vector<16xi32>
      %reduce_min3A_92 = vector.extract %reduce_min3A_91[15] : i32 from vector<16xi32>
      %sub3A_93 = arith.subi %reduce_min3A_92, %mul3A_0 : i32
      %jit3A_94 = arith.constant 0 : i32
      %jit3A_95 = arith.constant 1279 : i32
      %max3A_96 = arith.maxsi %jit3A_94, %sub3A_93 : i32
      %min3A_97 = arith.minsi %jit3A_95, %max3A_96 : i32
      %broadcast_in_dim3A_98 = vector.broadcast %min3A_97 : i32 to vector<16xi32>
      %gather3A = tpu.vector_load_idx %arg9[%broadcast_in_dim3A_98] : memref<1280xf32, #tpu.memory_space<vmem>>[vector<16xi32>], vector<16xf32>,
      %bitcast3A = vector.bitcast %gather3A : vector<16xf32> to vector<16xi32>
      %gather3A_99 = tpu.vector_load_idx %arg10[%broadcast_in_dim3A_98] : memref<1280xf32, #tpu.memory_space<vmem>>[vector<16xi32>], vector<16xf32>,
      %bitcast3A_100 = vector.bitcast %gather3A_99 : vector<16xf32> to vector<16xi32>
      %gather3A_101 = tpu.vector_load_idx %arg11[%broadcast_in_dim3A_98] : memref<1280xf32, #tpu.memory_space<vmem>>[vector<16xi32>], vector<16xf32>,
      %bitcast3A_102 = vector.bitcast %gather3A_101 : vector<16xf32> to vector<16xi32>
      %gather3A_103 = tpu.vector_load_idx %arg12[%broadcast_in_dim3A_98] : memref<1280xf32, #tpu.memory_space<vmem>>[vector<16xi32>], vector<16xf32>,
      %bitcast3A_104 = vector.bitcast %gather3A_103 : vector<16xf32> to vector<16xi32>
      %gt3A = arith.constant 0xFF800000 : f32
      %gt3A_105 = arith.cmpf ogt, %reduce_max3A_81, %gt3A : f32
      %broadcast_in_dim3A_106 = vector.broadcast %reduce_max3A_81 : f32 to vector<16xf32>
      %bitcast3A_107 = vector.bitcast %broadcast_in_dim3A_106 : vector<16xf32> to vector<16xi32>
      %reduce_max3A_108 = arith.constant true
      %reduce_max3A_109 = vector.broadcast %reduce_max3A_108 : i1 to vector<16xi1>
      %reduce_max3A_110 = arith.constant -2147483648 : i32
      %reduce_max3A_111 = vector.broadcast %reduce_max3A_110 : i32 to vector<16xi32>
      %reduce_max3A_112 = arith.xori %bitcast3A_107, %reduce_max3A_111 : vector<16xi32>
      %reduce_max3A_113 = tpu.scan <max>, %reduce_max3A_112 masked %reduce_max3A_109 : vector<16xi32>, vector<16xi1> -> vector<16xi32>
      %reduce_max3A_114 = arith.xori %reduce_max3A_113, %reduce_max3A_111 : vector<16xi32>
      %reduce_max3A_115 = vector.extract %reduce_max3A_114[15] : i32 from vector<16xi32>
      %jit3A_116 = arith.constant -1 : i32
      %select_n3A_117 = arith.select %gt3A_105, %reduce_max3A_115, %jit3A_116 : i32
      %reduce_max3A_118 = arith.constant true
      %reduce_max3A_119 = vector.broadcast %reduce_max3A_118 : i1 to vector<16xi1>
      %reduce_max3A_120 = arith.constant -2147483648 : i32
      %reduce_max3A_121 = vector.broadcast %reduce_max3A_120 : i32 to vector<16xi32>
      %reduce_max3A_122 = arith.xori %bitcast3A, %reduce_max3A_121 : vector<16xi32>
      %reduce_max3A_123 = tpu.scan <max>, %reduce_max3A_122 masked %reduce_max3A_119 : vector<16xi32>, vector<16xi1> -> vector<16xi32>
      %reduce_max3A_124 = arith.xori %reduce_max3A_123, %reduce_max3A_121 : vector<16xi32>
      %reduce_max3A_125 = vector.extract %reduce_max3A_124[15] : i32 from vector<16xi32>
      %reduce_max3A_126 = arith.constant true
      %reduce_max3A_127 = vector.broadcast %reduce_max3A_126 : i1 to vector<16xi1>
      %reduce_max3A_128 = arith.constant -2147483648 : i32
      %reduce_max3A_129 = vector.broadcast %reduce_max3A_128 : i32 to vector<16xi32>
      %reduce_max3A_130 = arith.xori %bitcast3A_100, %reduce_max3A_129 : vector<16xi32>
      %reduce_max3A_131 = tpu.scan <max>, %reduce_max3A_130 masked %reduce_max3A_127 : vector<16xi32>, vector<16xi1> -> vector<16xi32>
      %reduce_max3A_132 = arith.xori %reduce_max3A_131, %reduce_max3A_129 : vector<16xi32>
      %reduce_max3A_133 = vector.extract %reduce_max3A_132[15] : i32 from vector<16xi32>
      %reduce_max3A_134 = arith.constant true
      %reduce_max3A_135 = vector.broadcast %reduce_max3A_134 : i1 to vector<16xi1>
      %reduce_max3A_136 = arith.constant -2147483648 : i32
      %reduce_max3A_137 = vector.broadcast %reduce_max3A_136 : i32 to vector<16xi32>
      %reduce_max3A_138 = arith.xori %bitcast3A_102, %reduce_max3A_137 : vector<16xi32>
      %reduce_max3A_139 = tpu.scan <max>, %reduce_max3A_138 masked %reduce_max3A_135 : vector<16xi32>, vector<16xi1> -> vector<16xi32>
      %reduce_max3A_140 = arith.xori %reduce_max3A_139, %reduce_max3A_137 : vector<16xi32>
      %reduce_max3A_141 = vector.extract %reduce_max3A_140[15] : i32 from vector<16xi32>
      %reduce_max3A_142 = arith.constant true
      %reduce_max3A_143 = vector.broadcast %reduce_max3A_142 : i1 to vector<16xi1>
      %reduce_max3A_144 = arith.constant -2147483648 : i32
      %reduce_max3A_145 = vector.broadcast %reduce_max3A_144 : i32 to vector<16xi32>
      %reduce_max3A_146 = arith.xori %bitcast3A_104, %reduce_max3A_145 : vector<16xi32>
      %reduce_max3A_147 = tpu.scan <max>, %reduce_max3A_146 masked %reduce_max3A_143 : vector<16xi32>, vector<16xi1> -> vector<16xi32>
      %reduce_max3A_148 = arith.xori %reduce_max3A_147, %reduce_max3A_145 : vector<16xi32>
      %reduce_max3A_149 = vector.extract %reduce_max3A_148[15] : i32 from vector<16xi32>
      %mul3A_150 = arith.constant 6 : i32
      %mul3A_151 = arith.muli %arg1, %mul3A_150 : i32
      %add3A_152 = arith.constant 1 : i32
      %add3A_153 = arith.addi %add3A_152, %mul3A_151 : i32
      %add3A_154 = arith.constant 0 : i32
      %add3A_155 = arith.addi %add3A_153, %add3A_154 : i32
      %sub3A_156 = arith.subi %select_n3A_117, %scan3A_45 : i32
      %sc_fetch_and_add3A_157 = arith.constant 0 : i32
      %sc_fetch_and_add3A_158 = tpu.fetch_and_add_sync %arg17[%add3A_155], %sub3A_156, %sc_fetch_and_add3A_157 : memref<104xi32, #tpu.memory_space<smem>>, i32 -> i32
      %add3A_159 = arith.constant 1 : i32
      %add3A_160 = arith.addi %add3A_153, %add3A_159 : i32
      %sub3A_161 = arith.subi %reduce_min3A_92, %scan3A_46 : i32
      %sc_fetch_and_add3A_162 = arith.constant 0 : i32
      %sc_fetch_and_add3A_163 = tpu.fetch_and_add_sync %arg17[%add3A_160], %sub3A_161, %sc_fetch_and_add3A_162 : memref<104xi32, #tpu.memory_space<smem>>, i32 -> i32
      %add3A_164 = arith.constant 2 : i32
      %add3A_165 = arith.addi %add3A_153, %add3A_164 : i32
      %sub3A_166 = arith.subi %reduce_max3A_125, %scan3A_47 : i32
      %sc_fetch_and_add3A_167 = arith.constant 0 : i32
      %sc_fetch_and_add3A_168 = tpu.fetch_and_add_sync %arg17[%add3A_165], %sub3A_166, %sc_fetch_and_add3A_167 : memref<104xi32, #tpu.memory_space<smem>>, i32 -> i32
      %add3A_169 = arith.constant 3 : i32
      %add3A_170 = arith.addi %add3A_153, %add3A_169 : i32
      %sub3A_171 = arith.subi %reduce_max3A_133, %scan3A_48 : i32
      %sc_fetch_and_add3A_172 = arith.constant 0 : i32
      %sc_fetch_and_add3A_173 = tpu.fetch_and_add_sync %arg17[%add3A_170], %sub3A_171, %sc_fetch_and_add3A_172 : memref<104xi32, #tpu.memory_space<smem>>, i32 -> i32
      %add3A_174 = arith.constant 4 : i32
      %add3A_175 = arith.addi %add3A_153, %add3A_174 : i32
      %sub3A_176 = arith.subi %reduce_max3A_141, %scan3A_49 : i32
      %sc_fetch_and_add3A_177 = arith.constant 0 : i32
      %sc_fetch_and_add3A_178 = tpu.fetch_and_add_sync %arg17[%add3A_175], %sub3A_176, %sc_fetch_and_add3A_177 : memref<104xi32, #tpu.memory_space<smem>>, i32 -> i32
      %add3A_179 = arith.constant 5 : i32
      %add3A_180 = arith.addi %add3A_153, %add3A_179 : i32
      %sub3A_181 = arith.subi %reduce_max3A_149, %scan3A_50 : i32
      %sc_fetch_and_add3A_182 = arith.constant 0 : i32
      %sc_fetch_and_add3A_183 = tpu.fetch_and_add_sync %arg17[%add3A_180], %sub3A_181, %sc_fetch_and_add3A_182 : memref<104xi32, #tpu.memory_space<smem>>, i32 -> i32
      %add3A_184 = arith.constant 2 : i32
      %add3A_185 = arith.addi %scan3A_39, %add3A_184 : i32
      %mul3A_186 = arith.constant 16 : i32
      %mul3A_187 = arith.muli %mul3A_186, %add3A_185 : i32
      %eq3A_188 = arith.constant 0 : i32
      %eq3A_189 = arith.cmpi eq, %arg1, %eq3A_188 : i32
      %sc_fetch_and_add3A_190 = arith.constant 1 : i32
      %sc_fetch_and_add3A_191 = arith.constant 0 : i32
      %sc_fetch_and_add3A_192 = arith.constant 0 : i32
      %sc_fetch_and_add3A_193 = tpu.fetch_and_add_sync %arg17[%sc_fetch_and_add3A_191], %sc_fetch_and_add3A_190, %sc_fetch_and_add3A_192 : memref<104xi32, #tpu.memory_space<smem>>, i32 -> i32
      %convert_element_type3A_194 = arith.extui %eq3A_189 : i1 to i32
      %cond3A_195 = arith.constant 0 : i32
      %cond3A_196 = arith.cmpi ne, %convert_element_type3A_194, %cond3A_195 : i32
      scf.if %cond3A_196 {
        %while3A_259 = arith.constant 0 : i32
        %while3A_260 = scf.while (%while3A_261 = %while3A_259) : (i32) -> i32 {
          %lt3A_262 = arith.cmpi slt, %while3A_261, %mul3A_187 : i32
          scf.condition(%lt3A_262) %while3A_261 : i32
        } do {
        ^bb0(%while3A_261: i32):
          %sc_fetch_and_add3A_262 = arith.constant 0 : i32
          %sc_fetch_and_add3A_263 = arith.constant 0 : i32
          %sc_fetch_and_add3A_264 = arith.constant 0 : i32
          %sc_fetch_and_add3A_265 = tpu.fetch_and_add_sync %arg17[%sc_fetch_and_add3A_263], %sc_fetch_and_add3A_262, %sc_fetch_and_add3A_264 : memref<104xi32, #tpu.memory_space<smem>>, i32 -> i32
          scf.yield %sc_fetch_and_add3A_265 : i32
        }
      } else {
      }
      %eq3A_197 = arith.constant 0 : i32
      %eq3A_198 = arith.cmpi eq, %arg1, %eq3A_197 : i32
      %convert_element_type3A_199 = arith.extui %eq3A_198 : i1 to i32
      %cond3A_200 = arith.constant 0 : i32
      %cond3A_201 = arith.cmpi ne, %convert_element_type3A_199, %cond3A_200 : i32
      scf.if %cond3A_201 {
        %get3A = arith.constant 1 : i32
        %get3A_259 = arith.index_cast %get3A : i32 to index
        %get3A_260 = memref.load %arg17[%get3A_259] : memref<104xi32, #tpu.memory_space<smem>>
        %get3A_261 = arith.constant 2 : i32
        %get3A_262 = arith.index_cast %get3A_261 : i32 to index
        %get3A_263 = memref.load %arg17[%get3A_262] : memref<104xi32, #tpu.memory_space<smem>>
        %get3A_264 = arith.constant 3 : i32
        %get3A_265 = arith.index_cast %get3A_264 : i32 to index
        %get3A_266 = memref.load %arg17[%get3A_265] : memref<104xi32, #tpu.memory_space<smem>>
        %get3A_267 = arith.constant 4 : i32
        %get3A_268 = arith.index_cast %get3A_267 : i32 to index
        %get3A_269 = memref.load %arg17[%get3A_268] : memref<104xi32, #tpu.memory_space<smem>>
        %get3A_270 = arith.constant 5 : i32
        %get3A_271 = arith.index_cast %get3A_270 : i32 to index
        %get3A_272 = memref.load %arg17[%get3A_271] : memref<104xi32, #tpu.memory_space<smem>>
        %get3A_273 = arith.constant 6 : i32
        %get3A_274 = arith.index_cast %get3A_273 : i32 to index
        %get3A_275 = memref.load %arg17[%get3A_274] : memref<104xi32, #tpu.memory_space<smem>>
        %get3A_276 = arith.constant 7 : i32
        %get3A_277 = arith.index_cast %get3A_276 : i32 to index
        %get3A_278 = memref.load %arg17[%get3A_277] : memref<104xi32, #tpu.memory_space<smem>>
        %get3A_279 = arith.constant 8 : i32
        %get3A_280 = arith.index_cast %get3A_279 : i32 to index
        %get3A_281 = memref.load %arg17[%get3A_280] : memref<104xi32, #tpu.memory_space<smem>>
        %gt3A_282 = arith.cmpi sgt, %get3A_278, %get3A_260 : i32
        %eq3A_283 = arith.cmpi eq, %get3A_278, %get3A_260 : i32
        %lt3A_284 = arith.cmpi slt, %get3A_281, %get3A_263 : i32
        %and3A_285 = arith.andi %eq3A_283, %lt3A_284 : i1
        %or3A = arith.ori %gt3A_282, %and3A_285 : i1
        %select_n3A_286 = arith.select %or3A, %get3A_278, %get3A_260 : i32
        %select_n3A_287 = arith.select %or3A, %get3A_281, %get3A_263 : i32
        %get3A_288 = arith.constant 9 : i32
        %get3A_289 = arith.index_cast %get3A_288 : i32 to index
        %get3A_290 = memref.load %arg17[%get3A_289] : memref<104xi32, #tpu.memory_space<smem>>
        %select_n3A_291 = arith.select %or3A, %get3A_290, %get3A_266 : i32
        %get3A_292 = arith.constant 10 : i32
        %get3A_293 = arith.index_cast %get3A_292 : i32 to index
        %get3A_294 = memref.load %arg17[%get3A_293] : memref<104xi32, #tpu.memory_space<smem>>
        %select_n3A_295 = arith.select %or3A, %get3A_294, %get3A_269 : i32
        %get3A_296 = arith.constant 11 : i32
        %get3A_297 = arith.index_cast %get3A_296 : i32 to index
        %get3A_298 = memref.load %arg17[%get3A_297] : memref<104xi32, #tpu.memory_space<smem>>
        %select_n3A_299 = arith.select %or3A, %get3A_298, %get3A_272 : i32
        %get3A_300 = arith.constant 12 : i32
        %get3A_301 = arith.index_cast %get3A_300 : i32 to index
        %get3A_302 = memref.load %arg17[%get3A_301] : memref<104xi32, #tpu.memory_space<smem>>
        %select_n3A_303 = arith.select %or3A, %get3A_302, %get3A_275 : i32
        %get3A_304 = arith.constant 13 : i32
        %get3A_305 = arith.index_cast %get3A_304 : i32 to index
        %get3A_306 = memref.load %arg17[%get3A_305] : memref<104xi32, #tpu.memory_space<smem>>
        %get3A_307 = arith.constant 14 : i32
        %get3A_308 = arith.index_cast %get3A_307 : i32 to index
        %get3A_309 = memref.load %arg17[%get3A_308] : memref<104xi32, #tpu.memory_space<smem>>
        %gt3A_310 = arith.cmpi sgt, %get3A_306, %select_n3A_286 : i32
        %eq3A_311 = arith.cmpi eq, %get3A_306, %select_n3A_286 : i32
        %lt3A_312 = arith.cmpi slt, %get3A_309, %select_n3A_287 : i32
        %and3A_313 = arith.andi %eq3A_311, %lt3A_312 : i1
        %or3A_314 = arith.ori %gt3A_310, %and3A_313 : i1
        %select_n3A_315 = arith.select %or3A_314, %get3A_306, %select_n3A_286 : i32
        %select_n3A_316 = arith.select %or3A_314, %get3A_309, %select_n3A_287 : i32
        %get3A_317 = arith.constant 15 : i32
        %get3A_318 = arith.index_cast %get3A_317 : i32 to index
        %get3A_319 = memref.load %arg17[%get3A_318] : memref<104xi32, #tpu.memory_space<smem>>
        %select_n3A_320 = arith.select %or3A_314, %get3A_319, %select_n3A_291 : i32
        %get3A_321 = arith.constant 16 : i32
        %get3A_322 = arith.index_cast %get3A_321 : i32 to index
        %get3A_323 = memref.load %arg17[%get3A_322] : memref<104xi32, #tpu.memory_space<smem>>
        %select_n3A_324 = arith.select %or3A_314, %get3A_323, %select_n3A_295 : i32
        %get3A_325 = arith.constant 17 : i32
        %get3A_326 = arith.index_cast %get3A_325 : i32 to index
        %get3A_327 = memref.load %arg17[%get3A_326] : memref<104xi32, #tpu.memory_space<smem>>
        %select_n3A_328 = arith.select %or3A_314, %get3A_327, %select_n3A_299 : i32
        %get3A_329 = arith.constant 18 : i32
        %get3A_330 = arith.index_cast %get3A_329 : i32 to index
        %get3A_331 = memref.load %arg17[%get3A_330] : memref<104xi32, #tpu.memory_space<smem>>
        %select_n3A_332 = arith.select %or3A_314, %get3A_331, %select_n3A_303 : i32
        %get3A_333 = arith.constant 19 : i32
        %get3A_334 = arith.index_cast %get3A_333 : i32 to index
        %get3A_335 = memref.load %arg17[%get3A_334] : memref<104xi32, #tpu.memory_space<smem>>
        %get3A_336 = arith.constant 20 : i32
        %get3A_337 = arith.index_cast %get3A_336 : i32 to index
        %get3A_338 = memref.load %arg17[%get3A_337] : memref<104xi32, #tpu.memory_space<smem>>
        %gt3A_339 = arith.cmpi sgt, %get3A_335, %select_n3A_315 : i32
        %eq3A_340 = arith.cmpi eq, %get3A_335, %select_n3A_315 : i32
        %lt3A_341 = arith.cmpi slt, %get3A_338, %select_n3A_316 : i32
        %and3A_342 = arith.andi %eq3A_340, %lt3A_341 : i1
        %or3A_343 = arith.ori %gt3A_339, %and3A_342 : i1
        %select_n3A_344 = arith.select %or3A_343, %get3A_335, %select_n3A_315 : i32
        %select_n3A_345 = arith.select %or3A_343, %get3A_338, %select_n3A_316 : i32
        %get3A_346 = arith.constant 21 : i32
        %get3A_347 = arith.index_cast %get3A_346 : i32 to index
        %get3A_348 = memref.load %arg17[%get3A_347] : memref<104xi32, #tpu.memory_space<smem>>
        %select_n3A_349 = arith.select %or3A_343, %get3A_348, %select_n3A_320 : i32
        %get3A_350 = arith.constant 22 : i32
        %get3A_351 = arith.index_cast %get3A_350 : i32 to index
        %get3A_352 = memref.load %arg17[%get3A_351] : memref<104xi32, #tpu.memory_space<smem>>
        %select_n3A_353 = arith.select %or3A_343, %get3A_352, %select_n3A_324 : i32
        %get3A_354 = arith.constant 23 : i32
        %get3A_355 = arith.index_cast %get3A_354 : i32 to index
        %get3A_356 = memref.load %arg17[%get3A_355] : memref<104xi32, #tpu.memory_space<smem>>
        %select_n3A_357 = arith.select %or3A_343, %get3A_356, %select_n3A_328 : i32
        %get3A_358 = arith.constant 24 : i32
        %get3A_359 = arith.index_cast %get3A_358 : i32 to index
        %get3A_360 = memref.load %arg17[%get3A_359] : memref<104xi32, #tpu.memory_space<smem>>
        %select_n3A_361 = arith.select %or3A_343, %get3A_360, %select_n3A_332 : i32
        %get3A_362 = arith.constant 25 : i32
        %get3A_363 = arith.index_cast %get3A_362 : i32 to index
        %get3A_364 = memref.load %arg17[%get3A_363] : memref<104xi32, #tpu.memory_space<smem>>
        %get3A_365 = arith.constant 26 : i32
        %get3A_366 = arith.index_cast %get3A_365 : i32 to index
        %get3A_367 = memref.load %arg17[%get3A_366] : memref<104xi32, #tpu.memory_space<smem>>
        %gt3A_368 = arith.cmpi sgt, %get3A_364, %select_n3A_344 : i32
        %eq3A_369 = arith.cmpi eq, %get3A_364, %select_n3A_344 : i32
        %lt3A_370 = arith.cmpi slt, %get3A_367, %select_n3A_345 : i32
        %and3A_371 = arith.andi %eq3A_369, %lt3A_370 : i1
        %or3A_372 = arith.ori %gt3A_368, %and3A_371 : i1
        %select_n3A_373 = arith.select %or3A_372, %get3A_364, %select_n3A_344 : i32
        %select_n3A_374 = arith.select %or3A_372, %get3A_367, %select_n3A_345 : i32
        %get3A_375 = arith.constant 27 : i32
        %get3A_376 = arith.index_cast %get3A_375 : i32 to index
        %get3A_377 = memref.load %arg17[%get3A_376] : memref<104xi32, #tpu.memory_space<smem>>
        %select_n3A_378 = arith.select %or3A_372, %get3A_377, %select_n3A_349 : i32
        %get3A_379 = arith.constant 28 : i32
        %get3A_380 = arith.index_cast %get3A_379 : i32 to index
        %get3A_381 = memref.load %arg17[%get3A_380] : memref<104xi32, #tpu.memory_space<smem>>
        %select_n3A_382 = arith.select %or3A_372, %get3A_381, %select_n3A_353 : i32
        %get3A_383 = arith.constant 29 : i32
        %get3A_384 = arith.index_cast %get3A_383 : i32 to index
        %get3A_385 = memref.load %arg17[%get3A_384] : memref<104xi32, #tpu.memory_space<smem>>
        %select_n3A_386 = arith.select %or3A_372, %get3A_385, %select_n3A_357 : i32
        %get3A_387 = arith.constant 30 : i32
        %get3A_388 = arith.index_cast %get3A_387 : i32 to index
        %get3A_389 = memref.load %arg17[%get3A_388] : memref<104xi32, #tpu.memory_space<smem>>
        %select_n3A_390 = arith.select %or3A_372, %get3A_389, %select_n3A_361 : i32
        %get3A_391 = arith.constant 31 : i32
        %get3A_392 = arith.index_cast %get3A_391 : i32 to index
        %get3A_393 = memref.load %arg17[%get3A_392] : memref<104xi32, #tpu.memory_space<smem>>
        %get3A_394 = arith.constant 32 : i32
        %get3A_395 = arith.index_cast %get3A_394 : i32 to index
        %get3A_396 = memref.load %arg17[%get3A_395] : memref<104xi32, #tpu.memory_space<smem>>
        %gt3A_397 = arith.cmpi sgt, %get3A_393, %select_n3A_373 : i32
        %eq3A_398 = arith.cmpi eq, %get3A_393, %select_n3A_373 : i32
        %lt3A_399 = arith.cmpi slt, %get3A_396, %select_n3A_374 : i32
        %and3A_400 = arith.andi %eq3A_398, %lt3A_399 : i1
        %or3A_401 = arith.ori %gt3A_397, %and3A_400 : i1
        %select_n3A_402 = arith.select %or3A_401, %get3A_393, %select_n3A_373 : i32
        %select_n3A_403 = arith.select %or3A_401, %get3A_396, %select_n3A_374 : i32
        %get3A_404 = arith.constant 33 : i32
        %get3A_405 = arith.index_cast %get3A_404 : i32 to index
        %get3A_406 = memref.load %arg17[%get3A_405] : memref<104xi32, #tpu.memory_space<smem>>
        %select_n3A_407 = arith.select %or3A_401, %get3A_406, %select_n3A_378 : i32
        %get3A_408 = arith.constant 34 : i32
        %get3A_409 = arith.index_cast %get3A_408 : i32 to index
        %get3A_410 = memref.load %arg17[%get3A_409] : memref<104xi32, #tpu.memory_space<smem>>
        %select_n3A_411 = arith.select %or3A_401, %get3A_410, %select_n3A_382 : i32
        %get3A_412 = arith.constant 35 : i32
        %get3A_413 = arith.index_cast %get3A_412 : i32 to index
        %get3A_414 = memref.load %arg17[%get3A_413] : memref<104xi32, #tpu.memory_space<smem>>
        %select_n3A_415 = arith.select %or3A_401, %get3A_414, %select_n3A_386 : i32
        %get3A_416 = arith.constant 36 : i32
        %get3A_417 = arith.index_cast %get3A_416 : i32 to index
        %get3A_418 = memref.load %arg17[%get3A_417] : memref<104xi32, #tpu.memory_space<smem>>
        %select_n3A_419 = arith.select %or3A_401, %get3A_418, %select_n3A_390 : i32
        %get3A_420 = arith.constant 37 : i32
        %get3A_421 = arith.index_cast %get3A_420 : i32 to index
        %get3A_422 = memref.load %arg17[%get3A_421] : memref<104xi32, #tpu.memory_space<smem>>
        %get3A_423 = arith.constant 38 : i32
        %get3A_424 = arith.index_cast %get3A_423 : i32 to index
        %get3A_425 = memref.load %arg17[%get3A_424] : memref<104xi32, #tpu.memory_space<smem>>
        %gt3A_426 = arith.cmpi sgt, %get3A_422, %select_n3A_402 : i32
        %eq3A_427 = arith.cmpi eq, %get3A_422, %select_n3A_402 : i32
        %lt3A_428 = arith.cmpi slt, %get3A_425, %select_n3A_403 : i32
        %and3A_429 = arith.andi %eq3A_427, %lt3A_428 : i1
        %or3A_430 = arith.ori %gt3A_426, %and3A_429 : i1
        %select_n3A_431 = arith.select %or3A_430, %get3A_422, %select_n3A_402 : i32
        %select_n3A_432 = arith.select %or3A_430, %get3A_425, %select_n3A_403 : i32
        %get3A_433 = arith.constant 39 : i32
        %get3A_434 = arith.index_cast %get3A_433 : i32 to index
        %get3A_435 = memref.load %arg17[%get3A_434] : memref<104xi32, #tpu.memory_space<smem>>
        %select_n3A_436 = arith.select %or3A_430, %get3A_435, %select_n3A_407 : i32
        %get3A_437 = arith.constant 40 : i32
        %get3A_438 = arith.index_cast %get3A_437 : i32 to index
        %get3A_439 = memref.load %arg17[%get3A_438] : memref<104xi32, #tpu.memory_space<smem>>
        %select_n3A_440 = arith.select %or3A_430, %get3A_439, %select_n3A_411 : i32
        %get3A_441 = arith.constant 41 : i32
        %get3A_442 = arith.index_cast %get3A_441 : i32 to index
        %get3A_443 = memref.load %arg17[%get3A_442] : memref<104xi32, #tpu.memory_space<smem>>
        %select_n3A_444 = arith.select %or3A_430, %get3A_443, %select_n3A_415 : i32
        %get3A_445 = arith.constant 42 : i32
        %get3A_446 = arith.index_cast %get3A_445 : i32 to index
        %get3A_447 = memref.load %arg17[%get3A_446] : memref<104xi32, #tpu.memory_space<smem>>
        %select_n3A_448 = arith.select %or3A_430, %get3A_447, %select_n3A_419 : i32
        %get3A_449 = arith.constant 43 : i32
        %get3A_450 = arith.index_cast %get3A_449 : i32 to index
        %get3A_451 = memref.load %arg17[%get3A_450] : memref<104xi32, #tpu.memory_space<smem>>
        %get3A_452 = arith.constant 44 : i32
        %get3A_453 = arith.index_cast %get3A_452 : i32 to index
        %get3A_454 = memref.load %arg17[%get3A_453] : memref<104xi32, #tpu.memory_space<smem>>
        %gt3A_455 = arith.cmpi sgt, %get3A_451, %select_n3A_431 : i32
        %eq3A_456 = arith.cmpi eq, %get3A_451, %select_n3A_431 : i32
        %lt3A_457 = arith.cmpi slt, %get3A_454, %select_n3A_432 : i32
        %and3A_458 = arith.andi %eq3A_456, %lt3A_457 : i1
        %or3A_459 = arith.ori %gt3A_455, %and3A_458 : i1
        %select_n3A_460 = arith.select %or3A_459, %get3A_451, %select_n3A_431 : i32
        %select_n3A_461 = arith.select %or3A_459, %get3A_454, %select_n3A_432 : i32
        %get3A_462 = arith.constant 45 : i32
        %get3A_463 = arith.index_cast %get3A_462 : i32 to index
        %get3A_464 = memref.load %arg17[%get3A_463] : memref<104xi32, #tpu.memory_space<smem>>
        %select_n3A_465 = arith.select %or3A_459, %get3A_464, %select_n3A_436 : i32
        %get3A_466 = arith.constant 46 : i32
        %get3A_467 = arith.index_cast %get3A_466 : i32 to index
        %get3A_468 = memref.load %arg17[%get3A_467] : memref<104xi32, #tpu.memory_space<smem>>
        %select_n3A_469 = arith.select %or3A_459, %get3A_468, %select_n3A_440 : i32
        %get3A_470 = arith.constant 47 : i32
        %get3A_471 = arith.index_cast %get3A_470 : i32 to index
        %get3A_472 = memref.load %arg17[%get3A_471] : memref<104xi32, #tpu.memory_space<smem>>
        %select_n3A_473 = arith.select %or3A_459, %get3A_472, %select_n3A_444 : i32
        %get3A_474 = arith.constant 48 : i32
        %get3A_475 = arith.index_cast %get3A_474 : i32 to index
        %get3A_476 = memref.load %arg17[%get3A_475] : memref<104xi32, #tpu.memory_space<smem>>
        %select_n3A_477 = arith.select %or3A_459, %get3A_476, %select_n3A_448 : i32
        %get3A_478 = arith.constant 49 : i32
        %get3A_479 = arith.index_cast %get3A_478 : i32 to index
        %get3A_480 = memref.load %arg17[%get3A_479] : memref<104xi32, #tpu.memory_space<smem>>
        %get3A_481 = arith.constant 50 : i32
        %get3A_482 = arith.index_cast %get3A_481 : i32 to index
        %get3A_483 = memref.load %arg17[%get3A_482] : memref<104xi32, #tpu.memory_space<smem>>
        %gt3A_484 = arith.cmpi sgt, %get3A_480, %select_n3A_460 : i32
        %eq3A_485 = arith.cmpi eq, %get3A_480, %select_n3A_460 : i32
        %lt3A_486 = arith.cmpi slt, %get3A_483, %select_n3A_461 : i32
        %and3A_487 = arith.andi %eq3A_485, %lt3A_486 : i1
        %or3A_488 = arith.ori %gt3A_484, %and3A_487 : i1
        %select_n3A_489 = arith.select %or3A_488, %get3A_480, %select_n3A_460 : i32
        %select_n3A_490 = arith.select %or3A_488, %get3A_483, %select_n3A_461 : i32
        %get3A_491 = arith.constant 51 : i32
        %get3A_492 = arith.index_cast %get3A_491 : i32 to index
        %get3A_493 = memref.load %arg17[%get3A_492] : memref<104xi32, #tpu.memory_space<smem>>
        %select_n3A_494 = arith.select %or3A_488, %get3A_493, %select_n3A_465 : i32
        %get3A_495 = arith.constant 52 : i32
        %get3A_496 = arith.index_cast %get3A_495 : i32 to index
        %get3A_497 = memref.load %arg17[%get3A_496] : memref<104xi32, #tpu.memory_space<smem>>
        %select_n3A_498 = arith.select %or3A_488, %get3A_497, %select_n3A_469 : i32
        %get3A_499 = arith.constant 53 : i32
        %get3A_500 = arith.index_cast %get3A_499 : i32 to index
        %get3A_501 = memref.load %arg17[%get3A_500] : memref<104xi32, #tpu.memory_space<smem>>
        %select_n3A_502 = arith.select %or3A_488, %get3A_501, %select_n3A_473 : i32
        %get3A_503 = arith.constant 54 : i32
        %get3A_504 = arith.index_cast %get3A_503 : i32 to index
        %get3A_505 = memref.load %arg17[%get3A_504] : memref<104xi32, #tpu.memory_space<smem>>
        %select_n3A_506 = arith.select %or3A_488, %get3A_505, %select_n3A_477 : i32
        %get3A_507 = arith.constant 55 : i32
        %get3A_508 = arith.index_cast %get3A_507 : i32 to index
        %get3A_509 = memref.load %arg17[%get3A_508] : memref<104xi32, #tpu.memory_space<smem>>
        %get3A_510 = arith.constant 56 : i32
        %get3A_511 = arith.index_cast %get3A_510 : i32 to index
        %get3A_512 = memref.load %arg17[%get3A_511] : memref<104xi32, #tpu.memory_space<smem>>
        %gt3A_513 = arith.cmpi sgt, %get3A_509, %select_n3A_489 : i32
        %eq3A_514 = arith.cmpi eq, %get3A_509, %select_n3A_489 : i32
        %lt3A_515 = arith.cmpi slt, %get3A_512, %select_n3A_490 : i32
        %and3A_516 = arith.andi %eq3A_514, %lt3A_515 : i1
        %or3A_517 = arith.ori %gt3A_513, %and3A_516 : i1
        %select_n3A_518 = arith.select %or3A_517, %get3A_509, %select_n3A_489 : i32
        %select_n3A_519 = arith.select %or3A_517, %get3A_512, %select_n3A_490 : i32
        %get3A_520 = arith.constant 57 : i32
        %get3A_521 = arith.index_cast %get3A_520 : i32 to index
        %get3A_522 = memref.load %arg17[%get3A_521] : memref<104xi32, #tpu.memory_space<smem>>
        %select_n3A_523 = arith.select %or3A_517, %get3A_522, %select_n3A_494 : i32
        %get3A_524 = arith.constant 58 : i32
        %get3A_525 = arith.index_cast %get3A_524 : i32 to index
        %get3A_526 = memref.load %arg17[%get3A_525] : memref<104xi32, #tpu.memory_space<smem>>
        %select_n3A_527 = arith.select %or3A_517, %get3A_526, %select_n3A_498 : i32
        %get3A_528 = arith.constant 59 : i32
        %get3A_529 = arith.index_cast %get3A_528 : i32 to index
        %get3A_530 = memref.load %arg17[%get3A_529] : memref<104xi32, #tpu.memory_space<smem>>
        %select_n3A_531 = arith.select %or3A_517, %get3A_530, %select_n3A_502 : i32
        %get3A_532 = arith.constant 60 : i32
        %get3A_533 = arith.index_cast %get3A_532 : i32 to index
        %get3A_534 = memref.load %arg17[%get3A_533] : memref<104xi32, #tpu.memory_space<smem>>
        %select_n3A_535 = arith.select %or3A_517, %get3A_534, %select_n3A_506 : i32
        %get3A_536 = arith.constant 61 : i32
        %get3A_537 = arith.index_cast %get3A_536 : i32 to index
        %get3A_538 = memref.load %arg17[%get3A_537] : memref<104xi32, #tpu.memory_space<smem>>
        %get3A_539 = arith.constant 62 : i32
        %get3A_540 = arith.index_cast %get3A_539 : i32 to index
        %get3A_541 = memref.load %arg17[%get3A_540] : memref<104xi32, #tpu.memory_space<smem>>
        %gt3A_542 = arith.cmpi sgt, %get3A_538, %select_n3A_518 : i32
        %eq3A_543 = arith.cmpi eq, %get3A_538, %select_n3A_518 : i32
        %lt3A_544 = arith.cmpi slt, %get3A_541, %select_n3A_519 : i32
        %and3A_545 = arith.andi %eq3A_543, %lt3A_544 : i1
        %or3A_546 = arith.ori %gt3A_542, %and3A_545 : i1
        %select_n3A_547 = arith.select %or3A_546, %get3A_538, %select_n3A_518 : i32
        %select_n3A_548 = arith.select %or3A_546, %get3A_541, %select_n3A_519 : i32
        %get3A_549 = arith.constant 63 : i32
        %get3A_550 = arith.index_cast %get3A_549 : i32 to index
        %get3A_551 = memref.load %arg17[%get3A_550] : memref<104xi32, #tpu.memory_space<smem>>
        %select_n3A_552 = arith.select %or3A_546, %get3A_551, %select_n3A_523 : i32
        %get3A_553 = arith.constant 64 : i32
        %get3A_554 = arith.index_cast %get3A_553 : i32 to index
        %get3A_555 = memref.load %arg17[%get3A_554] : memref<104xi32, #tpu.memory_space<smem>>
        %select_n3A_556 = arith.select %or3A_546, %get3A_555, %select_n3A_527 : i32
        %get3A_557 = arith.constant 65 : i32
        %get3A_558 = arith.index_cast %get3A_557 : i32 to index
        %get3A_559 = memref.load %arg17[%get3A_558] : memref<104xi32, #tpu.memory_space<smem>>
        %select_n3A_560 = arith.select %or3A_546, %get3A_559, %select_n3A_531 : i32
        %get3A_561 = arith.constant 66 : i32
        %get3A_562 = arith.index_cast %get3A_561 : i32 to index
        %get3A_563 = memref.load %arg17[%get3A_562] : memref<104xi32, #tpu.memory_space<smem>>
        %select_n3A_564 = arith.select %or3A_546, %get3A_563, %select_n3A_535 : i32
        %get3A_565 = arith.constant 67 : i32
        %get3A_566 = arith.index_cast %get3A_565 : i32 to index
        %get3A_567 = memref.load %arg17[%get3A_566] : memref<104xi32, #tpu.memory_space<smem>>
        %get3A_568 = arith.constant 68 : i32
        %get3A_569 = arith.index_cast %get3A_568 : i32 to index
        %get3A_570 = memref.load %arg17[%get3A_569] : memref<104xi32, #tpu.memory_space<smem>>
        %gt3A_571 = arith.cmpi sgt, %get3A_567, %select_n3A_547 : i32
        %eq3A_572 = arith.cmpi eq, %get3A_567, %select_n3A_547 : i32
        %lt3A_573 = arith.cmpi slt, %get3A_570, %select_n3A_548 : i32
        %and3A_574 = arith.andi %eq3A_572, %lt3A_573 : i1
        %or3A_575 = arith.ori %gt3A_571, %and3A_574 : i1
        %select_n3A_576 = arith.select %or3A_575, %get3A_567, %select_n3A_547 : i32
        %select_n3A_577 = arith.select %or3A_575, %get3A_570, %select_n3A_548 : i32
        %get3A_578 = arith.constant 69 : i32
        %get3A_579 = arith.index_cast %get3A_578 : i32 to index
        %get3A_580 = memref.load %arg17[%get3A_579] : memref<104xi32, #tpu.memory_space<smem>>
        %select_n3A_581 = arith.select %or3A_575, %get3A_580, %select_n3A_552 : i32
        %get3A_582 = arith.constant 70 : i32
        %get3A_583 = arith.index_cast %get3A_582 : i32 to index
        %get3A_584 = memref.load %arg17[%get3A_583] : memref<104xi32, #tpu.memory_space<smem>>
        %select_n3A_585 = arith.select %or3A_575, %get3A_584, %select_n3A_556 : i32
        %get3A_586 = arith.constant 71 : i32
        %get3A_587 = arith.index_cast %get3A_586 : i32 to index
        %get3A_588 = memref.load %arg17[%get3A_587] : memref<104xi32, #tpu.memory_space<smem>>
        %select_n3A_589 = arith.select %or3A_575, %get3A_588, %select_n3A_560 : i32
        %get3A_590 = arith.constant 72 : i32
        %get3A_591 = arith.index_cast %get3A_590 : i32 to index
        %get3A_592 = memref.load %arg17[%get3A_591] : memref<104xi32, #tpu.memory_space<smem>>
        %select_n3A_593 = arith.select %or3A_575, %get3A_592, %select_n3A_564 : i32
        %get3A_594 = arith.constant 73 : i32
        %get3A_595 = arith.index_cast %get3A_594 : i32 to index
        %get3A_596 = memref.load %arg17[%get3A_595] : memref<104xi32, #tpu.memory_space<smem>>
        %get3A_597 = arith.constant 74 : i32
        %get3A_598 = arith.index_cast %get3A_597 : i32 to index
        %get3A_599 = memref.load %arg17[%get3A_598] : memref<104xi32, #tpu.memory_space<smem>>
        %gt3A_600 = arith.cmpi sgt, %get3A_596, %select_n3A_576 : i32
        %eq3A_601 = arith.cmpi eq, %get3A_596, %select_n3A_576 : i32
        %lt3A_602 = arith.cmpi slt, %get3A_599, %select_n3A_577 : i32
        %and3A_603 = arith.andi %eq3A_601, %lt3A_602 : i1
        %or3A_604 = arith.ori %gt3A_600, %and3A_603 : i1
        %select_n3A_605 = arith.select %or3A_604, %get3A_596, %select_n3A_576 : i32
        %select_n3A_606 = arith.select %or3A_604, %get3A_599, %select_n3A_577 : i32
        %get3A_607 = arith.constant 75 : i32
        %get3A_608 = arith.index_cast %get3A_607 : i32 to index
        %get3A_609 = memref.load %arg17[%get3A_608] : memref<104xi32, #tpu.memory_space<smem>>
        %select_n3A_610 = arith.select %or3A_604, %get3A_609, %select_n3A_581 : i32
        %get3A_611 = arith.constant 76 : i32
        %get3A_612 = arith.index_cast %get3A_611 : i32 to index
        %get3A_613 = memref.load %arg17[%get3A_612] : memref<104xi32, #tpu.memory_space<smem>>
        %select_n3A_614 = arith.select %or3A_604, %get3A_613, %select_n3A_585 : i32
        %get3A_615 = arith.constant 77 : i32
        %get3A_616 = arith.index_cast %get3A_615 : i32 to index
        %get3A_617 = memref.load %arg17[%get3A_616] : memref<104xi32, #tpu.memory_space<smem>>
        %select_n3A_618 = arith.select %or3A_604, %get3A_617, %select_n3A_589 : i32
        %get3A_619 = arith.constant 78 : i32
        %get3A_620 = arith.index_cast %get3A_619 : i32 to index
        %get3A_621 = memref.load %arg17[%get3A_620] : memref<104xi32, #tpu.memory_space<smem>>
        %select_n3A_622 = arith.select %or3A_604, %get3A_621, %select_n3A_593 : i32
        %get3A_623 = arith.constant 79 : i32
        %get3A_624 = arith.index_cast %get3A_623 : i32 to index
        %get3A_625 = memref.load %arg17[%get3A_624] : memref<104xi32, #tpu.memory_space<smem>>
        %get3A_626 = arith.constant 80 : i32
        %get3A_627 = arith.index_cast %get3A_626 : i32 to index
        %get3A_628 = memref.load %arg17[%get3A_627] : memref<104xi32, #tpu.memory_space<smem>>
        %gt3A_629 = arith.cmpi sgt, %get3A_625, %select_n3A_605 : i32
        %eq3A_630 = arith.cmpi eq, %get3A_625, %select_n3A_605 : i32
        %lt3A_631 = arith.cmpi slt, %get3A_628, %select_n3A_606 : i32
        %and3A_632 = arith.andi %eq3A_630, %lt3A_631 : i1
        %or3A_633 = arith.ori %gt3A_629, %and3A_632 : i1
        %select_n3A_634 = arith.select %or3A_633, %get3A_625, %select_n3A_605 : i32
        %select_n3A_635 = arith.select %or3A_633, %get3A_628, %select_n3A_606 : i32
        %get3A_636 = arith.constant 81 : i32
        %get3A_637 = arith.index_cast %get3A_636 : i32 to index
        %get3A_638 = memref.load %arg17[%get3A_637] : memref<104xi32, #tpu.memory_space<smem>>
        %select_n3A_639 = arith.select %or3A_633, %get3A_638, %select_n3A_610 : i32
        %get3A_640 = arith.constant 82 : i32
        %get3A_641 = arith.index_cast %get3A_640 : i32 to index
        %get3A_642 = memref.load %arg17[%get3A_641] : memref<104xi32, #tpu.memory_space<smem>>
        %select_n3A_643 = arith.select %or3A_633, %get3A_642, %select_n3A_614 : i32
        %get3A_644 = arith.constant 83 : i32
        %get3A_645 = arith.index_cast %get3A_644 : i32 to index
        %get3A_646 = memref.load %arg17[%get3A_645] : memref<104xi32, #tpu.memory_space<smem>>
        %select_n3A_647 = arith.select %or3A_633, %get3A_646, %select_n3A_618 : i32
        %get3A_648 = arith.constant 84 : i32
        %get3A_649 = arith.index_cast %get3A_648 : i32 to index
        %get3A_650 = memref.load %arg17[%get3A_649] : memref<104xi32, #tpu.memory_space<smem>>
        %select_n3A_651 = arith.select %or3A_633, %get3A_650, %select_n3A_622 : i32
        %get3A_652 = arith.constant 85 : i32
        %get3A_653 = arith.index_cast %get3A_652 : i32 to index
        %get3A_654 = memref.load %arg17[%get3A_653] : memref<104xi32, #tpu.memory_space<smem>>
        %get3A_655 = arith.constant 86 : i32
        %get3A_656 = arith.index_cast %get3A_655 : i32 to index
        %get3A_657 = memref.load %arg17[%get3A_656] : memref<104xi32, #tpu.memory_space<smem>>
        %gt3A_658 = arith.cmpi sgt, %get3A_654, %select_n3A_634 : i32
        %eq3A_659 = arith.cmpi eq, %get3A_654, %select_n3A_634 : i32
        %lt3A_660 = arith.cmpi slt, %get3A_657, %select_n3A_635 : i32
        %and3A_661 = arith.andi %eq3A_659, %lt3A_660 : i1
        %or3A_662 = arith.ori %gt3A_658, %and3A_661 : i1
        %select_n3A_663 = arith.select %or3A_662, %get3A_654, %select_n3A_634 : i32
        %select_n3A_664 = arith.select %or3A_662, %get3A_657, %select_n3A_635 : i32
        %get3A_665 = arith.constant 87 : i32
        %get3A_666 = arith.index_cast %get3A_665 : i32 to index
        %get3A_667 = memref.load %arg17[%get3A_666] : memref<104xi32, #tpu.memory_space<smem>>
        %select_n3A_668 = arith.select %or3A_662, %get3A_667, %select_n3A_639 : i32
        %get3A_669 = arith.constant 88 : i32
        %get3A_670 = arith.index_cast %get3A_669 : i32 to index
        %get3A_671 = memref.load %arg17[%get3A_670] : memref<104xi32, #tpu.memory_space<smem>>
        %select_n3A_672 = arith.select %or3A_662, %get3A_671, %select_n3A_643 : i32
        %get3A_673 = arith.constant 89 : i32
        %get3A_674 = arith.index_cast %get3A_673 : i32 to index
        %get3A_675 = memref.load %arg17[%get3A_674] : memref<104xi32, #tpu.memory_space<smem>>
        %select_n3A_676 = arith.select %or3A_662, %get3A_675, %select_n3A_647 : i32
        %get3A_677 = arith.constant 90 : i32
        %get3A_678 = arith.index_cast %get3A_677 : i32 to index
        %get3A_679 = memref.load %arg17[%get3A_678] : memref<104xi32, #tpu.memory_space<smem>>
        %select_n3A_680 = arith.select %or3A_662, %get3A_679, %select_n3A_651 : i32
        %get3A_681 = arith.constant 91 : i32
        %get3A_682 = arith.index_cast %get3A_681 : i32 to index
        %get3A_683 = memref.load %arg17[%get3A_682] : memref<104xi32, #tpu.memory_space<smem>>
        %get3A_684 = arith.constant 92 : i32
        %get3A_685 = arith.index_cast %get3A_684 : i32 to index
        %get3A_686 = memref.load %arg17[%get3A_685] : memref<104xi32, #tpu.memory_space<smem>>
        %gt3A_687 = arith.cmpi sgt, %get3A_683, %select_n3A_663 : i32
        %eq3A_688 = arith.cmpi eq, %get3A_683, %select_n3A_663 : i32
        %lt3A_689 = arith.cmpi slt, %get3A_686, %select_n3A_664 : i32
        %and3A_690 = arith.andi %eq3A_688, %lt3A_689 : i1
        %or3A_691 = arith.ori %gt3A_687, %and3A_690 : i1
        %select_n3A_692 = arith.select %or3A_691, %get3A_683, %select_n3A_663 : i32
        %select_n3A_693 = arith.select %or3A_691, %get3A_686, %select_n3A_664 : i32
        %get3A_694 = arith.constant 93 : i32
        %get3A_695 = arith.index_cast %get3A_694 : i32 to index
        %get3A_696 = memref.load %arg17[%get3A_695] : memref<104xi32, #tpu.memory_space<smem>>
        %select_n3A_697 = arith.select %or3A_691, %get3A_696, %select_n3A_668 : i32
        %get3A_698 = arith.constant 94 : i32
        %get3A_699 = arith.index_cast %get3A_698 : i32 to index
        %get3A_700 = memref.load %arg17[%get3A_699] : memref<104xi32, #tpu.memory_space<smem>>
        %select_n3A_701 = arith.select %or3A_691, %get3A_700, %select_n3A_672 : i32
        %get3A_702 = arith.constant 95 : i32
        %get3A_703 = arith.index_cast %get3A_702 : i32 to index
        %get3A_704 = memref.load %arg17[%get3A_703] : memref<104xi32, #tpu.memory_space<smem>>
        %select_n3A_705 = arith.select %or3A_691, %get3A_704, %select_n3A_676 : i32
        %get3A_706 = arith.constant 96 : i32
        %get3A_707 = arith.index_cast %get3A_706 : i32 to index
        %get3A_708 = memref.load %arg17[%get3A_707] : memref<104xi32, #tpu.memory_space<smem>>
        %select_n3A_709 = arith.select %or3A_691, %get3A_708, %select_n3A_680 : i32
        %swap3A = arith.constant 97 : i32
        %swap3A_710 = arith.index_cast %swap3A : i32 to index
        %swap3A_711 = memref.load %arg17[%swap3A_710] : memref<104xi32, #tpu.memory_space<smem>>
        memref.store %select_n3A_692, %arg17[%swap3A_710] : memref<104xi32, #tpu.memory_space<smem>>
        %swap3A_712 = arith.constant 98 : i32
        %swap3A_713 = arith.index_cast %swap3A_712 : i32 to index
        %swap3A_714 = memref.load %arg17[%swap3A_713] : memref<104xi32, #tpu.memory_space<smem>>
        memref.store %select_n3A_693, %arg17[%swap3A_713] : memref<104xi32, #tpu.memory_space<smem>>
        %swap3A_715 = arith.constant 99 : i32
        %swap3A_716 = arith.index_cast %swap3A_715 : i32 to index
        %swap3A_717 = memref.load %arg17[%swap3A_716] : memref<104xi32, #tpu.memory_space<smem>>
        memref.store %select_n3A_697, %arg17[%swap3A_716] : memref<104xi32, #tpu.memory_space<smem>>
        %swap3A_718 = arith.constant 100 : i32
        %swap3A_719 = arith.index_cast %swap3A_718 : i32 to index
        %swap3A_720 = memref.load %arg17[%swap3A_719] : memref<104xi32, #tpu.memory_space<smem>>
        memref.store %select_n3A_701, %arg17[%swap3A_719] : memref<104xi32, #tpu.memory_space<smem>>
        %swap3A_721 = arith.constant 101 : i32
        %swap3A_722 = arith.index_cast %swap3A_721 : i32 to index
        %swap3A_723 = memref.load %arg17[%swap3A_722] : memref<104xi32, #tpu.memory_space<smem>>
        memref.store %select_n3A_705, %arg17[%swap3A_722] : memref<104xi32, #tpu.memory_space<smem>>
        %swap3A_724 = arith.constant 102 : i32
        %swap3A_725 = arith.index_cast %swap3A_724 : i32 to index
        %swap3A_726 = memref.load %arg17[%swap3A_725] : memref<104xi32, #tpu.memory_space<smem>>
        memref.store %select_n3A_709, %arg17[%swap3A_725] : memref<104xi32, #tpu.memory_space<smem>>
        %add3A_727 = arith.constant 1 : i32
        %add3A_728 = arith.addi %scan3A_39, %add3A_727 : i32
        %swap3A_729 = arith.constant 103 : i32
        %swap3A_730 = arith.index_cast %swap3A_729 : i32 to index
        %swap3A_731 = memref.load %arg17[%swap3A_730] : memref<104xi32, #tpu.memory_space<smem>>
        memref.store %add3A_728, %arg17[%swap3A_730] : memref<104xi32, #tpu.memory_space<smem>>
      } else {
      }
      %while3A_202 = arith.constant 0 : i32
      %while3A_203 = scf.while (%while3A_259 = %while3A_202) : (i32) -> i32 {
        %add3A_260 = arith.constant 1 : i32
        %add3A_261 = arith.addi %scan3A_39, %add3A_260 : i32
        %ne3A = arith.cmpi ne, %while3A_259, %add3A_261 : i32
        scf.condition(%ne3A) %while3A_259 : i32
      } do {
      ^bb0(%while3A_259: i32):
        %sc_fetch_and_add3A_260 = arith.constant 0 : i32
        %sc_fetch_and_add3A_261 = arith.constant 103 : i32
        %sc_fetch_and_add3A_262 = arith.constant 0 : i32
        %sc_fetch_and_add3A_263 = tpu.fetch_and_add_sync %arg17[%sc_fetch_and_add3A_261], %sc_fetch_and_add3A_260, %sc_fetch_and_add3A_262 : memref<104xi32, #tpu.memory_space<smem>>, i32 -> i32
        scf.yield %sc_fetch_and_add3A_263 : i32
      }
      %sc_fetch_and_add3A_204 = arith.constant 0 : i32
      %sc_fetch_and_add3A_205 = arith.constant 97 : i32
      %sc_fetch_and_add3A_206 = arith.constant 0 : i32
      %sc_fetch_and_add3A_207 = tpu.fetch_and_add_sync %arg17[%sc_fetch_and_add3A_205], %sc_fetch_and_add3A_204, %sc_fetch_and_add3A_206 : memref<104xi32, #tpu.memory_space<smem>>, i32 -> i32
      %sc_fetch_and_add3A_208 = arith.constant 0 : i32
      %sc_fetch_and_add3A_209 = arith.constant 98 : i32
      %sc_fetch_and_add3A_210 = arith.constant 0 : i32
      %sc_fetch_and_add3A_211 = tpu.fetch_and_add_sync %arg17[%sc_fetch_and_add3A_209], %sc_fetch_and_add3A_208, %sc_fetch_and_add3A_210 : memref<104xi32, #tpu.memory_space<smem>>, i32 -> i32
      %sc_fetch_and_add3A_212 = arith.constant 0 : i32
      %sc_fetch_and_add3A_213 = arith.constant 99 : i32
      %sc_fetch_and_add3A_214 = arith.constant 0 : i32
      %sc_fetch_and_add3A_215 = tpu.fetch_and_add_sync %arg17[%sc_fetch_and_add3A_213], %sc_fetch_and_add3A_212, %sc_fetch_and_add3A_214 : memref<104xi32, #tpu.memory_space<smem>>, i32 -> i32
      %sc_fetch_and_add3A_216 = arith.constant 0 : i32
      %sc_fetch_and_add3A_217 = arith.constant 100 : i32
      %sc_fetch_and_add3A_218 = arith.constant 0 : i32
      %sc_fetch_and_add3A_219 = tpu.fetch_and_add_sync %arg17[%sc_fetch_and_add3A_217], %sc_fetch_and_add3A_216, %sc_fetch_and_add3A_218 : memref<104xi32, #tpu.memory_space<smem>>, i32 -> i32
      %sc_fetch_and_add3A_220 = arith.constant 0 : i32
      %sc_fetch_and_add3A_221 = arith.constant 101 : i32
      %sc_fetch_and_add3A_222 = arith.constant 0 : i32
      %sc_fetch_and_add3A_223 = tpu.fetch_and_add_sync %arg17[%sc_fetch_and_add3A_221], %sc_fetch_and_add3A_220, %sc_fetch_and_add3A_222 : memref<104xi32, #tpu.memory_space<smem>>, i32 -> i32
      %sc_fetch_and_add3A_224 = arith.constant 0 : i32
      %sc_fetch_and_add3A_225 = arith.constant 102 : i32
      %sc_fetch_and_add3A_226 = arith.constant 0 : i32
      %sc_fetch_and_add3A_227 = tpu.fetch_and_add_sync %arg17[%sc_fetch_and_add3A_225], %sc_fetch_and_add3A_224, %sc_fetch_and_add3A_226 : memref<104xi32, #tpu.memory_space<smem>>, i32 -> i32
      %ge3A_228 = arith.constant 0 : i32
      %ge3A_229 = arith.cmpi sge, %sc_fetch_and_add3A_207, %ge3A_228 : i32
      %broadcast_in_dim3A_230 = vector.broadcast %sc_fetch_and_add3A_215 : i32 to vector<16xi32>
      %bitcast3A_231 = vector.bitcast %broadcast_in_dim3A_230 : vector<16xi32> to vector<16xf32>
      %jit3A_232 = arith.constant 0.000000e+00 : f32
      %broadcast_in_dim3A_233 = vector.broadcast %jit3A_232 : f32 to vector<16xf32>
      %select_n3A_234 = arith.select %ge3A_229, %bitcast3A_231, %broadcast_in_dim3A_233 : vector<16xf32>
      %broadcast_in_dim3A_235 = vector.broadcast %sc_fetch_and_add3A_219 : i32 to vector<16xi32>
      %bitcast3A_236 = vector.bitcast %broadcast_in_dim3A_235 : vector<16xi32> to vector<16xf32>
      %jit3A_237 = arith.constant 0.000000e+00 : f32
      %broadcast_in_dim3A_238 = vector.broadcast %jit3A_237 : f32 to vector<16xf32>
      %select_n3A_239 = arith.select %ge3A_229, %bitcast3A_236, %broadcast_in_dim3A_238 : vector<16xf32>
      %broadcast_in_dim3A_240 = vector.broadcast %sc_fetch_and_add3A_223 : i32 to vector<16xi32>
      %bitcast3A_241 = vector.bitcast %broadcast_in_dim3A_240 : vector<16xi32> to vector<16xf32>
      %jit3A_242 = arith.constant 0.000000e+00 : f32
      %broadcast_in_dim3A_243 = vector.broadcast %jit3A_242 : f32 to vector<16xf32>
      %select_n3A_244 = arith.select %ge3A_229, %bitcast3A_241, %broadcast_in_dim3A_243 : vector<16xf32>
      %broadcast_in_dim3A_245 = vector.broadcast %sc_fetch_and_add3A_227 : i32 to vector<16xi32>
      %bitcast3A_246 = vector.bitcast %broadcast_in_dim3A_245 : vector<16xi32> to vector<16xf32>
      %jit3A_247 = arith.constant 0.000000e+00 : f32
      %broadcast_in_dim3A_248 = vector.broadcast %jit3A_247 : f32 to vector<16xf32>
      %select_n3A_249 = arith.select %ge3A_229, %bitcast3A_246, %broadcast_in_dim3A_248 : vector<16xf32>
      %broadcast_in_dim3A_250 = vector.broadcast %sc_fetch_and_add3A_211 : i32 to vector<16xi32>
      %broadcast_in_dim3A_251 = arith.constant -1 : i32
      %broadcast_in_dim3A_252 = vector.broadcast %broadcast_in_dim3A_251 : i32 to vector<16xi32>
      %select_n3A_253 = arith.select %ge3A_229, %broadcast_in_dim3A_250, %broadcast_in_dim3A_252 : vector<16xi32>
      %eq3A_254 = arith.constant 0 : i32
      %eq3A_255 = arith.cmpi eq, %arg1, %eq3A_254 : i32
      %convert_element_type3A_256 = arith.extui %eq3A_255 : i1 to i32
      %cond3A_257 = arith.constant 0 : i32
      %cond3A_258 = arith.cmpi ne, %convert_element_type3A_256, %cond3A_257 : i32
      scf.if %cond3A_258 {
        %jit3A_259 = arith.constant -1 : i32
        %select_n3A_260 = arith.select %ge3A_229, %sc_fetch_and_add3A_211, %jit3A_259 : i32
        %broadcast_in_dim3A_261 = vector.broadcast %scan3A_39 : i32 to vector<16xi32>
        %broadcast_in_dim3A_262 = vector.broadcast %select_n3A_260 : i32 to vector<16xi32>
        %eq3A_263 = arith.constant 0 : i32
        %eq3A_264 = vector.broadcast %eq3A_263 : i32 to vector<16xi32>
        %eq3A_265 = arith.cmpi eq, %iota3A, %eq3A_264 : vector<16xi32>
        tpu.vector_store_idx %arg15[%broadcast_in_dim3A_261], %broadcast_in_dim3A_262 masked %eq3A_265 : memref<300xi32, #tpu.memory_space<vmem>>[vector<16xi32>], vector<16xi32>, vector<16xi1>
        %eq3A_266 = arith.constant 0 : i32
        %eq3A_267 = vector.broadcast %eq3A_266 : i32 to vector<16xi32>
        %eq3A_268 = arith.cmpi eq, %iota3A, %eq3A_267 : vector<16xi32>
        %eq3A_269 = arith.constant 1 : i32
        %eq3A_270 = vector.broadcast %eq3A_269 : i32 to vector<16xi32>
        %eq3A_271 = arith.cmpi eq, %iota3A, %eq3A_270 : vector<16xi32>
        %eq3A_272 = arith.constant 2 : i32
        %eq3A_273 = vector.broadcast %eq3A_272 : i32 to vector<16xi32>
        %eq3A_274 = arith.cmpi eq, %iota3A, %eq3A_273 : vector<16xi32>
        %select_n3A_275 = arith.select %eq3A_274, %select_n3A_244, %select_n3A_249 : vector<16xi1>, vector<16xf32>
        %select_n3A_276 = arith.select %eq3A_271, %select_n3A_239, %select_n3A_275 : vector<16xi1>, vector<16xf32>
        %select_n3A_277 = arith.select %eq3A_268, %select_n3A_234, %select_n3A_276 : vector<16xi1>, vector<16xf32>
        %broadcast_in_dim3A_278 = vector.broadcast %scan3A_39 : i32 to vector<16xi32>
        %lt3A_279 = arith.constant 4 : i32
        %lt3A_280 = vector.broadcast %lt3A_279 : i32 to vector<16xi32>
        %lt3A_281 = arith.cmpi slt, %iota3A, %lt3A_280 : vector<16xi32>
        tpu.vector_store_idx %arg16[%broadcast_in_dim3A_278, %iota3A], %select_n3A_277 masked %lt3A_281 : memref<300x4xf32, #tpu.memory_space<vmem>>[vector<16xi32>, vector<16xi32>], vector<16xf32>, vector<16xi1>
      } else {
      }
      scf.yield %select_n3A_234, %select_n3A_239, %select_n3A_244, %select_n3A_249, %select_n3A_253, %select_n3A_117, %reduce_min3A_92, %reduce_max3A_125, %reduce_max3A_133, %reduce_max3A_141, %reduce_max3A_149 : vector<16xf32>, vector<16xf32>, vector<16xf32>, vector<16xf32>, vector<16xi32>, i32, i32, i32, i32, i32, i32
    }
    %scan3A_33 = arith.constant 300 : i32
    %eq3A_34 = arith.constant 0 : i32
    %eq3A_35 = arith.cmpi eq, %arg1, %eq3A_34 : i32
    %convert_element_type3A_36 = arith.extui %eq3A_35 : i1 to i32
    %cond3A_37 = arith.constant 0 : i32
    %cond3A_38 = arith.cmpi ne, %convert_element_type3A_36, %cond3A_37 : i32
    scf.if %cond3A_38 {
      "tpu.region"() ({
        %run_scoped3A = tpu.sem_alloc : memref<!tpu.dma_semaphore, #tpu.memory_space<semaphore_mem>>
        tpu.enqueue_dma source(%arg15 : memref<300xi32, #tpu.memory_space<vmem>>) target(%arg7 : memref<300xi32, #tpu.memory_space<hbm>>) target_semaphore(%run_scoped3A : memref<!tpu.dma_semaphore, #tpu.memory_space<semaphore_mem>>)
        tpu.wait_dma2 semaphore(%run_scoped3A : memref<!tpu.dma_semaphore, #tpu.memory_space<semaphore_mem>>) src(%arg15 : memref<300xi32, #tpu.memory_space<vmem>>) dst(%arg7 : memref<300xi32, #tpu.memory_space<hbm>>)
        tpu.yield
      }) : () -> ()
      "tpu.region"() ({
        %run_scoped3A = tpu.sem_alloc : memref<!tpu.dma_semaphore, #tpu.memory_space<semaphore_mem>>
        tpu.enqueue_dma source(%arg16 : memref<300x4xf32, #tpu.memory_space<vmem>>) target(%arg8 : memref<300x4xf32, #tpu.memory_space<hbm>>) target_semaphore(%run_scoped3A : memref<!tpu.dma_semaphore, #tpu.memory_space<semaphore_mem>>)
        tpu.wait_dma2 semaphore(%run_scoped3A : memref<!tpu.dma_semaphore, #tpu.memory_space<semaphore_mem>>) src(%arg16 : memref<300x4xf32, #tpu.memory_space<vmem>>) dst(%arg8 : memref<300x4xf32, #tpu.memory_space<hbm>>)
        tpu.yield
      }) : () -> ()
    } else {
    }
    return
  }
}

</mosaic_0001>

<sc_bundles>
// kernel: kernel.3.cloned.1.call-start
scs
__scs_entry_jumppad:
0x0: {  	(pc) =	sbr.rel $0x88, $3  }
0x1: {  	(tag) =	ssettag $0x0;
	lr =	simm.s32 $0x1  }
0x2: {  	[smem:$0x3F9F] =	sst lr;
	_ =	strace $0xD0000000  }
0x3: {  	_ = 	snop  }
0x4: {  	_ = 	snop  }
0x5: {  	_ = 	snop  }
0x6: {  	_ = 	snop  }
0x7: {  	_ = 	snop  }
__scs_overlays_trampoline_lowered:
0x8: {  	[smem:$0x3FAE] =	sst s0  }
0x9: {  	[smem:$0x3FAF] =	sst s1  }
0xa: {  	[smem:$0x3FB0] =	sst s2  }
0xb: {  	[smem:$0x3FB1] =	sst s3  }
0xc: {  	[smem:$0x3FB2] =	sst s4  }
0xd: {  	[smem:$0x3FB3] =	sst s5  }
0xe: {  	[smem:$0x3FB4] =	sst s6  }
0xf: {  	[smem:$0x3FB5] =	sst s7  }
0x10: {  	[smem:$0x3FB6] =	sst s8  }
0x11: {  	[smem:$0x3FB7] =	sst s9;
	s0 =	simm.s32 @!p0 $0x0  }
0x12: {  	s1 =	sld [smem:$0x3F9D];
	s0 =	simm.s32 @p0 $0x1  }
0x13: {  	[smem:$0x3FB8] =	sst s0;
	s0 =	simm.s32 @!p1 $0x0  }
0x14: {  	s2 =	sld [smem:$0x3F9C];
	s0 =	simm.s32 @p1 $0x1  }
0x15: {  	[smem:$0x3FB9] =	sst s0;
	s0 =	simm.s32 @!p2 $0x0  }
0x16: {  	s3 =	sld [smem:$0x3FDB];
	s0 =	simm.s32 @p2 $0x1  }
0x17: {  	s4 =	simm.s32 $0x1BF5;
	[smem:$0x3FBB] =	sst s0  }
0x18: {  	s0 =	sld [smem:$0x3F9E];
	_ =	swait.ge [sflag:s4], $0x0  }
0x19: {  	s7 =	sld [smem:$0x3F9F]  }
0x1a: {  	s8 =	sadd.s32 $0xFFFFE003, lr  }
0x1b: {  	s9 =	sadd.s32 $0xFFFFFEF7, lr;
	s5 =	simm.s32 $0xFFFFFFFF;
	p2 =	slt.u32 s8, $0xFFFFF086  }
0x1c: {  	p1 =	slt.u32 s9, $0xF7A;
	s5 =	simm.s32 @!p2 $0x0  }
0x1d: {  	s5 =	simm.s32 @p1 $0x1;
	p0 =	seq.s32 s7, s2  }
0x1e: {  	s7 =	smul.u32 @!p0 $0xF7A, s2;
	p2 =	seq.s32 @!p0 s5, $0x0  }
0x1f: {  	s9 =	smul.u32 $0xF7A, s1;
	s8 =	simm.s32 @!p0 $0x1BF5;
	p2 =	por !p2, p0  }
0x20: {  	[sflag:s8] =	ssyncset.s32 @!p0 $0xFFFFF086;
	s6 =	sadd.s32 @!p0 s3, s7;
	s7 =	simm.s32 @!p0 $0x108  }
0x21: {  	s3 =	sadd.s32 s3, s9;
	s6 =	sadd.s32 @!p0 $0x88, s6;
	s7 =	simm.s32 @p2 $0x1082  }
0x22: {  	[simem:s7], [sflag:s8] =	dma.local @!p0 [hbm:s6], $0xF7A  }
0x23: {  	s9 =	sor.u32 $0xD0000000, s2;
	s6 =	simm.s32 $0x108;
	_ =	swait.ge @!p0 [sflag:s8], $0x0  }
0x24: {  	s3 =	sadd.s32 $0x88, s3;
	s6 =	simm.s32 @!p1 $0x1082;
	[sflag:s4] =	ssyncset.s32 $0xFFFFF086  }
0x25: {  	[simem:s6], [sflag:s4] =	dma.local [hbm:s3], $0xF7A  }
0x26: {  	[smem:$0x3F9F] =	sst s1;
	(tag) =	ssettag s2;
	_ =	strace s9  }
0x27: {  	s1 =	sld [smem:$0x3FAF]  }
0x28: {  	s2 =	sld [smem:$0x3FB0]  }
0x29: {  	s4 =	sld [smem:$0x3FB2]  }
0x2a: {  	p0 =	seq.s32 s5, $0x0;
	s5 =	sld [smem:$0x3FB3]  }
0x2b: {  	s6 =	sld [smem:$0x3FB4]  }
0x2c: {  	s7 =	sld [smem:$0x3FB5]  }
0x2d: {  	s3 =	simm.s32 $0x108;
	s8 =	sld [smem:$0x3FB6]  }
0x2e: {  	s3 =	simm.s32 @!p0 $0x1082;
	s9 =	sld [smem:$0x3FB7]  }
0x2f: {  	lr =	sadd.s32 s0, s3;
	s0 =	sld [smem:$0x3FAE]  }
0x30: {  	s3 =	sld [smem:$0x3FB1]  }
0x31: {  	[smem:$0x3FBA] =	sst s10  }
0x32: {  	s10 =	sld [smem:$0x3FB8];
	_ =	sdelay $0x3  }
0x33: {  	p0 =	seq.s32 s10, $0x1;
	s10 =	sld [smem:$0x3FBA];
	_ =	sdelay $0x3  }
0x34: {  	[smem:$0x3FBA] =	sst s10  }
0x35: {  	s10 =	sld [smem:$0x3FB9];
	_ =	sdelay $0x3  }
0x36: {  	p1 =	seq.s32 s10, $0x1;
	s10 =	sld [smem:$0x3FBA];
	_ =	sdelay $0x3  }
0x37: {  	[smem:$0x3FBA] =	sst s10  }
0x38: {  	s10 =	sld [smem:$0x3FBB]  }
0x39: {  	_ = 	snop;
	(pc) =	sbr.ind lr, $3  }
0x3a: {  	_ = 	snop  }
0x3b: {  	_ = 	snop  }
0x3c: {  	p2 =	seq.s32 s10, $0x1;
	s10 =	sld [smem:$0x3FBA]  }
0x3d: {  	_ =	shalt  }
0x3e: {  	_ =	shalt  }
0x3f: {  	_ =	shalt  }
0x40: {  	_ =	shalt  }
0x41: {  	_ =	shalt  }
0x42: {  	_ =	shalt  }
0x43: {  	_ =	shalt  }
0x44: {  	_ =	shalt  }
0x45: {  	_ =	shalt  }
0x46: {  	_ =	shalt  }
0x47: {  	_ =	shalt  }
0x48: {  	_ =	shalt  }
0x49: {  	_ =	shalt  }
0x4a: {  	_ =	shalt  }
0x4b: {  	_ =	shalt  }
0x4c: {  	_ =	shalt  }
0x4d: {  	_ =	shalt  }
0x4e: {  	_ =	shalt  }
0x4f: {  	_ =	shalt  }
0x50: {  	_ =	shalt  }
0x51: {  	_ =	shalt  }
0x52: {  	_ =	shalt  }
0x53: {  	_ =	shalt  }
0x54: {  	_ =	shalt  }
0x55: {  	_ =	shalt  }
0x56: {  	_ =	shalt  }
0x57: {  	_ =	shalt  }
0x58: {  	_ =	shalt  }
0x59: {  	_ =	shalt  }
0x5a: {  	_ =	shalt  }
0x5b: {  	_ =	shalt  }
0x5c: {  	_ =	shalt  }
0x5d: {  	_ =	shalt  }
0x5e: {  	_ =	shalt  }
0x5f: {  	_ =	shalt  }
0x60: {  	_ =	shalt  }
0x61: {  	_ =	shalt  }
0x62: {  	_ =	shalt  }
0x63: {  	_ =	shalt  }
0x64: {  	_ =	shalt  }
0x65: {  	_ =	shalt  }
0x66: {  	_ =	shalt  }
0x67: {  	_ =	shalt  }
0x68: {  	_ =	shalt  }
0x69: {  	_ =	shalt  }
0x6a: {  	_ =	shalt  }
0x6b: {  	_ =	shalt  }
0x6c: {  	_ =	shalt  }
0x6d: {  	_ =	shalt  }
0x6e: {  	_ =	shalt  }
0x6f: {  	_ =	shalt  }
0x70: {  	_ =	shalt  }
0x71: {  	_ =	shalt  }
0x72: {  	_ =	shalt  }
0x73: {  	_ =	shalt  }
0x74: {  	_ =	shalt  }
0x75: {  	_ =	shalt  }
0x76: {  	_ =	shalt  }
0x77: {  	_ =	shalt  }
0x78: {  	_ =	shalt  }
0x79: {  	_ =	shalt  }
0x7a: {  	_ =	shalt  }
0x7b: {  	_ =	shalt  }
0x7c: {  	_ =	shalt  }
0x7d: {  	_ =	shalt  }
0x7e: {  	_ =	shalt  }
0x7f: {  	_ =	shalt  }
0x80: {  	_ =	shalt  }
0x81: {  	_ =	shalt  }
0x82: {  	_ =	shalt  }
0x83: {  	_ =	shalt  }
0x84: {  	_ =	shalt  }
0x85: {  	_ =	shalt  }
0x86: {  	_ =	shalt  }
0x87: {  	_ =	shalt  }
.Lfunc_end0:
.L_simem_size_0:
called_computation_lowered:
.L_overlay_start_0:
0x88: {  	s0 =	sld [smem:$0x3FD9]  }
0x89: {  	s1 =	sld [smem:$0x3FFE];
	_ =	sdelay $0x3  }
0x8a: {  	s0 =	sadd.s32 s1, s0  }
0x8b: {  	[smem:$0x3FC6] =	sst s0  }
0x8c: {  	_ = 	snop  }
0x8d: {  	s0 =	sld [smem:$0x3FD0];
	_ =	sdelay $0x2  }
0x8e: {  	s13 =	simm.s32 $0xA;
	s2 =	simm.s32 $0x10  }
0x8f: {  	[smem:s2], [sflag:s13] =	dma.local [hbm:s0], $0x1  }
0x90: {  	_ =	swait.eq [sflag:s13], $0x1  }
0x91: {  	[sflag:s13] =	ssyncset.done $0x0  }
0x92: {  	[sflag:s13] =	ssyncadd.s32 $0xFFFFFFFF  }
0x93: {  	s14 =	sld [smem:$0x11];
	(tm) =	ssettm $0x1  }
0x94: {  	s15 =	sld [smem:$0x3FFB];
	_ =	sdelay $0x3  }
0x95: {  	_ =	strace s15  }
0x96: {  	s1 =	sld [smem:$0x3FFC];
	_ =	sdelay $0x3  }
0x97: {  	_ =	strace s1  }
0x98: {  	s1 =	sld [smem:$0x3FFD];
	_ =	sdelay $0x3  }
0x99: {  	_ =	strace s1  }
0x9a: {  	_ =	strace $0x8FFFFFFF  }
0x9b: {  	s16 =	sld [smem:$0x3FDB];
	_ =	sdelay $0x1  }
0x9c: {  	s17 =	simm.s32 $_scs_section_size  }
0x9d: {  	s3 =	simm.s32 $_size__tile_overlayer_lowered;
	s4 =	simm.s32 $_tile_overlayer_lowered  }
0x9e: {  	s20 =	simm.s32 $0x1BFF;
	s19 =	sshll.u32 s4, $0x1;
	s1 =	sadd.s32 s17, s16  }
0x9f: {  	s5 =	simm.s32 $0x0;
	s18 =	sshll.u32 s3, $0x1;
	s3 =	sadd.s32 s19, s1  }
0xa0: {  	[timem:s5], [sflag:s20] =	dma.local [hbm:s3], s18  }
0xa1: {  	_ =	swait.ge [sflag:s20], s18  }
0xa2: {  	s2 =	ssub.s32 $0x0, s18;
	[sflag:s20] =	ssyncset.done $0x0  }
0xa3: {  	[sflag:s20] =	ssyncadd.s32 s2;
	_ =	sdelay $0x1  }
0xa4: {  	s21 =	simm.s32 $0x1B8B  }
0xa5: {  	_ =	swait.ge [sflag:s21], $0x1  }
0xa6: {  	[sflag:s21] =	ssyncset.done $0x0  }
0xa7: {  	s23 =	simm.s32 $0x1B8E;
	s22 =	sld [smem:$0x3FFE];
	[sflag:s21] =	ssyncadd.s32 $0xFFFFFFFF  }
0xa8: {  	s24 =	simm.s32 $execute0_lowered;
	[smem:$0x3FD2] =	sst s23  }
0xa9: {  	s3 =	sshll.u32 s24, $0x1;
	_ =	strace $0x80000046;
	[dreg:$0x1] =	wrdreg $0xFFFFFFFF  }
0xaa: {  	s25 =	simm.s32 $_size_execute0_lowered;
	s1 =	sadd.s32 s1, s3;
	[dreg:$0x0] =	wrdreg $0x0  }
0xab: {  	s3 =	sshll.u32 s25, $0x1;
	[dreg:$0x2] =	wrdreg s1  }
0xac: {  	[dreg:$0x3] =	wrdreg s3  }
0xad: {  	[dreg:$0x4] =	wrdreg $0xC0  }
0xae: {  	_ =	task [dreg:s5], $0x5FFFF  }
0xaf: {  	[dreg:$0x1] =	wrdreg $0xFFFFFFFF  }
0xb0: {  	[dreg:$0x0] =	wrdreg $0x60  }
0xb1: {  	[dreg:$0x2] =	wrdreg s22  }
0xb2: {  	[dreg:$0x3] =	wrdreg s14  }
0xb3: {  	[dreg:$0x4] =	wrdreg $0x9  }
0xb4: {  	_ =	task.clear_ibuf [dreg:s5], $0x5FFFF;
	_ =	strace $0x90000046  }
0xb5: {  	s26 =	simm.s32 $0x9;
	_ =	strace $0x80000048  }
0xb6: {  	_ =	swait.ge [sflag:s26], $0x1  }
0xb7: {  	[sflag:s26] =	ssyncadd.s32 $0xFFFFFFFF  }
0xb8: {  	_ =	strace $0x90000048  }
0xb9: {  	_ =	sfence  }
0xba: {  	s28 =	sld [smem:$0x0];
	_ =	sdelay $0x1  }
0xbb: {  	s29 =	srdreg.scid  }
0xbc: {  	s30 =	sshll.u32 s29, $0xD;
	s31 =	sshrl.u32 s29, $0x2  }
0xbd: {  	s2 =	sand.u32 $0x4000, s30;
	s1 =	sand.u32 $0x1, s29;
	s0 =	sadd.s32 s31, s28  }
0xbe: {  	s1 =	sor.u32 s2, s1;
	s0 =	sshll.u32 s0, $0x11  }
0xbf: {  	s0 =	sor.u32 s0, s1  }
0xc0: {  	s0 =	sadd.s32 $0x8F2B, s0  }
0xc1: {  	[sflag:s0] =	ssyncadd.remote.s32 $0x1  }
0xc2: {  	_ =	sfence.sel $0xFFFF  }
0xc3: {  	[dreg:$0x0] =	wrdreg $0xFFFFFFFF;
	(pc) =	sbr.abs _section_cstart, $3  }
0xc4: {  	[dreg:$0x1] =	wrdreg $0xFFFFFFFF  }
0xc5: {  	_ =	task.clear_ibuf [dreg:s5], $0x2FFFF;
	_ =	strace $0x9FFFFFFF  }
0xc6: {  	(tm) =	ssettm $0x7FFFFFFF  }
0xc7: {  	_ =	shalt  }
tec
execute0_lowered:
.L_overlay_start_1:
0x0: {  	(tag) =	ssettag $0x1  }
0x1: {  	s0 =	stileid.u32  }
0x2: {  	s17 =	smul.u32 $0x500, s0;
	p1 =	sne.s32 s0, $0x0  }
.Ltmp0:
0x3: {  	s1 =	rddreg [dreg:$0x0];
	s4 =	simm.s32 $0x0;
	(pc) =	sbr.rel @p1 .LBB2_2-.Ltmp0, $4  }
0x4: {  	[smem:$0x7FF] =	sst s4;
	s31 =	smul.u32 $0x18, s0;
	s2 =	sshrl.u32 s17, $0x3  }
0x5: {  	_ =	strace $0x80000047;
	s5 =	sadd.s32 s1, s2  }
0x6: {  	s3 =	sadd.s32 $0x500, s17;
	s2 =	sshrl.u32 s31, $0x2;
	s9 =	sadd.s32 $0x1E00, s5  }
0x7: {  	v2 =	vlaneseq.u32;
	s8 =	sadd.s32 $0x1400, s5;
	s7 =	sadd.s32 $0xA00, s5;
	s6 =	sadd.s32 $0x2800, s5  }
0x8: {  	[smem:$0x0] =	sst s4  }
0x9: {  	[smem:$0x1] =	sst s4  }
0xa: {  	[smem:$0x2] =	sst s4  }
0xb: {  	[smem:$0x3] =	sst s4  }
0xc: {  	[smem:$0x4] =	sst s4  }
0xd: {  	[smem:$0x5] =	sst s4  }
0xe: {  	[smem:$0x6] =	sst s4  }
0xf: {  	[smem:$0x7] =	sst s4  }
0x10: {  	[smem:$0x8] =	sst s4  }
0x11: {  	[smem:$0x9] =	sst s4  }
0x12: {  	[smem:$0xA] =	sst s4  }
0x13: {  	[smem:$0xB] =	sst s4  }
0x14: {  	[smem:$0xC] =	sst s4  }
0x15: {  	[smem:$0xD] =	sst s4  }
0x16: {  	[smem:$0xE] =	sst s4  }
0x17: {  	[smem:$0xF] =	sst s4  }
0x18: {  	[smem:$0x10] =	sst s4  }
0x19: {  	[smem:$0x11] =	sst s4  }
0x1a: {  	[smem:$0x12] =	sst s4  }
0x1b: {  	[smem:$0x13] =	sst s4  }
0x1c: {  	[smem:$0x14] =	sst s4  }
0x1d: {  	[smem:$0x15] =	sst s4  }
0x1e: {  	[smem:$0x16] =	sst s4  }
0x1f: {  	[smem:$0x17] =	sst s4  }
0x20: {  	[smem:$0x18] =	sst s4  }
0x21: {  	[smem:$0x19] =	sst s4  }
0x22: {  	[smem:$0x1A] =	sst s4  }
0x23: {  	[smem:$0x1B] =	sst s4  }
0x24: {  	[smem:$0x1C] =	sst s4  }
0x25: {  	[smem:$0x1D] =	sst s4  }
0x26: {  	[smem:$0x1E] =	sst s4  }
0x27: {  	[smem:$0x1F] =	sst s4  }
0x28: {  	[smem:$0x20] =	sst s4  }
0x29: {  	[smem:$0x21] =	sst s4  }
0x2a: {  	[smem:$0x22] =	sst s4  }
0x2b: {  	[smem:$0x23] =	sst s4  }
0x2c: {  	[smem:$0x24] =	sst s4  }
0x2d: {  	[smem:$0x25] =	sst s4  }
0x2e: {  	[smem:$0x26] =	sst s4  }
0x2f: {  	[smem:$0x27] =	sst s4  }
0x30: {  	[smem:$0x28] =	sst s4  }
0x31: {  	[smem:$0x29] =	sst s4  }
0x32: {  	[smem:$0x2A] =	sst s4  }
0x33: {  	[smem:$0x2B] =	sst s4  }
0x34: {  	[smem:$0x2C] =	sst s4  }
0x35: {  	[smem:$0x2D] =	sst s4  }
0x36: {  	[smem:$0x2E] =	sst s4  }
0x37: {  	[smem:$0x2F] =	sst s4  }
0x38: {  	[smem:$0x30] =	sst s4  }
0x39: {  	[smem:$0x31] =	sst s4  }
0x3a: {  	[smem:$0x32] =	sst s4  }
0x3b: {  	[smem:$0x33] =	sst s4  }
0x3c: {  	[smem:$0x34] =	sst s4  }
0x3d: {  	[smem:$0x35] =	sst s4  }
0x3e: {  	[smem:$0x36] =	sst s4  }
0x3f: {  	[smem:$0x37] =	sst s4  }
0x40: {  	[smem:$0x38] =	sst s4  }
0x41: {  	[smem:$0x39] =	sst s4  }
0x42: {  	[smem:$0x3A] =	sst s4  }
0x43: {  	[smem:$0x3B] =	sst s4  }
0x44: {  	[smem:$0x3C] =	sst s4  }
0x45: {  	[smem:$0x3D] =	sst s4  }
0x46: {  	[smem:$0x3E] =	sst s4  }
0x47: {  	[smem:$0x3F] =	sst s4  }
0x48: {  	[smem:$0x40] =	sst s4  }
0x49: {  	[smem:$0x41] =	sst s4  }
0x4a: {  	[smem:$0x42] =	sst s4  }
0x4b: {  	[smem:$0x43] =	sst s4  }
0x4c: {  	[smem:$0x44] =	sst s4  }
0x4d: {  	[smem:$0x45] =	sst s4  }
0x4e: {  	[smem:$0x46] =	sst s4  }
0x4f: {  	[smem:$0x47] =	sst s4  }
0x50: {  	[smem:$0x48] =	sst s4  }
0x51: {  	[smem:$0x49] =	sst s4  }
0x52: {  	[smem:$0x4A] =	sst s4  }
0x53: {  	[smem:$0x4B] =	sst s4  }
0x54: {  	[smem:$0x4C] =	sst s4  }
0x55: {  	[smem:$0x4D] =	sst s4  }
0x56: {  	[smem:$0x4E] =	sst s4  }
0x57: {  	[smem:$0x4F] =	sst s4  }
0x58: {  	[smem:$0x50] =	sst s4  }
0x59: {  	[smem:$0x51] =	sst s4  }
0x5a: {  	[smem:$0x52] =	sst s4  }
0x5b: {  	[smem:$0x53] =	sst s4  }
0x5c: {  	[smem:$0x54] =	sst s4  }
0x5d: {  	[smem:$0x55] =	sst s4  }
0x5e: {  	[smem:$0x56] =	sst s4  }
0x5f: {  	[smem:$0x57] =	sst s4  }
0x60: {  	[smem:$0x58] =	sst s4  }
0x61: {  	[smem:$0x59] =	sst s4  }
0x62: {  	[smem:$0x5A] =	sst s4  }
0x63: {  	[smem:$0x5B] =	sst s4  }
0x64: {  	[smem:$0x5C] =	sst s4  }
0x65: {  	[smem:$0x5D] =	sst s4  }
0x66: {  	[smem:$0x5E] =	sst s4  }
0x67: {  	[smem:$0x5F] =	sst s4  }
0x68: {  	[smem:$0x60] =	sst s4  }
0x69: {  	[smem:$0x61] =	sst s4  }
0x6a: {  	[smem:$0x62] =	sst s4  }
0x6b: {  	[smem:$0x63] =	sst s4  }
0x6c: {  	[smem:$0x64] =	sst s4  }
0x6d: {  	[smem:$0x65] =	sst s4  }
0x6e: {  	[smem:$0x66] =	sst s4  }
0x6f: {  	[smem:$0x67] =	sst s4  }
.LBB2_2:
0x70: {  	[tilespmem:s4], [sflag:$0x3] =	stream.linear.gather [hbm4b:s9+s4], $0x500, $0x38;
	[tilespmem:$0xB780] =	vst v63  }
0x71: {  	s26 =	simm.s32 $0x3  }
0x72: {  	_ =	swait.ge [sflag:s26], $0x500  }
0x73: {  	[sflag:s26] =	ssyncset.done $0x0  }
0x74: {  	s10 =	simm.s32 $0x500;
	[sflag:s26] =	ssyncadd.s32 $0xFFFFFB00  }
0x75: {  	[tilespmem:s10], [sflag:$0x3] =	stream.linear.gather [hbm4b:s8+s4], $0x500, $0x38;
	[tilespmem:$0xB780] =	vst v63  }
0x76: {  	_ =	swait.ge [sflag:s26], $0x500  }
0x77: {  	[sflag:s26] =	ssyncset.done $0x0  }
0x78: {  	s29 =	simm.s32 $0xA00;
	[sflag:s26] =	ssyncadd.s32 $0xFFFFFB00  }
0x79: {  	[tilespmem:s29], [sflag:$0x3] =	stream.linear.gather [hbm4b:s7+s4], $0x500, $0x38;
	[tilespmem:$0xB780] =	vst v63  }
0x7a: {  	_ =	swait.ge [sflag:s26], $0x500  }
0x7b: {  	[sflag:s26] =	ssyncset.done $0x0  }
0x7c: {  	s30 =	simm.s32 $0xF00;
	[sflag:s26] =	ssyncadd.s32 $0xFFFFFB00  }
0x7d: {  	[tilespmem:s30], [sflag:$0x3] =	stream.linear.gather [hbm4b:s5+s4], $0x500, $0x38;
	[tilespmem:$0xB780] =	vst v63  }
0x7e: {  	_ =	swait.ge [sflag:s26], $0x500  }
0x7f: {  	[sflag:s26] =	ssyncset.done $0x0  }
0x80: {  	s31 =	simm.s32 $0x1400;
	[sflag:s26] =	ssyncadd.s32 $0xFFFFFB00  }
0x81: {  	[tilespmem:s31], [sflag:$0x3] =	stream.linear.gather [hbm4b:s6+s4], $0x500, $0x38;
	[tilespmem:$0xB780] =	vst v63  }
0x82: {  	_ =	swait.ge [sflag:s26], $0x500  }
0x83: {  	[sflag:s26] =	ssyncset.done $0x0  }
0x84: {  	s4 =	simm.s32 $0x0;
	[sflag:s26] =	ssyncadd.s32 $0xFFFFFB00  }
0x85: {  	v0 =	vld [tilespmem:s4+$0xA00]  }
0x86: {  	v1 =	vld [tilespmem:s4+$0x0]  }
0x87: {  	v5 =	vld [tilespmem:s4+$0xF00]  }
0x88: {  	v6 =	vld [tilespmem:s4+$0x500];
	_ =	sdelay $0x1  }
0x89: {  	s5 =	simm.s32 $0x10  }
0x8a: {  	v3 =	vld [tilespmem:s5+$0xA00]  }
0x8b: {  	v4 =	vld [tilespmem:s5+$0x0]  }
0x8c: {  	s1 =	sadd.s32 $0x3200, s1;
	s18 =	sor.u32 $0x1, s2;
	s19 =	sadd.s32 $0x2, s2;
	v7 =	vsub.f32 v0, v1;
	v8 =	vsub.f32 v5, v6;
	v5 =	vld [tilespmem:s5+$0xF00]  }
0x8d: {  	s20 =	sadd.s32 $0x3, s2;
	s21 =	sadd.s32 $0x4, s2;
	v2 =	vor.u32 s17, v2;
	s24 =	sadd.s32 $0x5, s2;
	v6 =	vld [tilespmem:s5+$0x500]  }
0x8e: {  	s28 =	sadd.s32 $0x6, s2;
	[dreg:$0x3] =	wrdreg s1;
	s1 =	simm.s32 $0x80;
	v0 =	vmov s17;
	v1 =	vmov s3;
	v7 =	vmul.f32 v8, v7  }
.LBB2_3:
0x8f: {  	s2 =	sshra.s32 s1, $0x2;
	v8 =	vmov v3;
	p0 =	sne.s32 s1, $0x13C0  }
.Ltmp1:
0x90: {  	v3 =	vld [tilespmem:s2+$0xA00];
	[tilespmem:s4+$0x1900] =	vst v7;
	v7 =	vmov v4;
	s4 =	smov.u32 s5;
	s5 =	smov.u32 s2;
	(pc) =	sbr.rel @p0 .LBB2_3-.Ltmp1, $4  }
0x91: {  	v4 =	vld [tilespmem:s5+$0x0]  }
0x92: {  	s1 =	sadd.s32 $0x40, s1;
	v7 =	vsub.f32 v8, v7;
	v8 =	vsub.f32 v5, v6;
	v5 =	vld [tilespmem:s5+$0xF00]  }
0x93: {  	v6 =	vld [tilespmem:s5+$0x500]  }
0x94: {  	v7 =	vmul.f32 v8, v7  }
0x95: {  	_ =	sdelay $0x2  }
0x96: {  	v3 =	vsub.f32 v3, v4;
	v63 =	vsub.f32 v5, v6;
	_ =	sdelay $0x1  }
0x97: {  	v3 =	vmul.f32 v63, v3  }
0x98: {  	s2 =	simm.s32 $0x1;
	[tilespmem:s4+$0x1900] =	vst v7  }
0x99: {  	s1 =	simm.s32 $0x0;
	[tilespmem:s5+$0x1900] =	vst v3;
	[sflag:s2] =	ssyncset.done $0x0  }
0x9a: {  	[smem:s1], [sflag:$0x1] =	smem.add.s32 $0x1  }
0x9b: {  	_ =	swait.done [sflag:s2]  }
0x9c: {  	[sflag:s2] =	ssyncset.s32 $0x0  }
0x9d: {  	[sflag:s2] =	ssyncset.done $0x0;
	s2 =	simm.s32 $0x2  }
.LBB2_5:
0x9e: {  	[sflag:s2] =	ssyncset.done $0x0  }
0x9f: {  	[smem:s1], [sflag:$0x2] =	smem.add.s32 $0x0  }
0xa0: {  	_ =	swait.done [sflag:s2]  }
0xa1: {  	s3 =	ssyncread [sflag:$0x2];
	_ =	sdelay $0x2  }
0xa2: {  	p0 =	slt.s32 s3, $0x10  }
.Ltmp2:
0xa3: {  	_ = 	snop;
	(pc) =	sbr.rel @p0 .LBB2_5-.Ltmp2, $3  }
0xa4: {  	_ =	sdelay $0x1  }
0xa5: {  	[sflag:s2] =	ssyncset.s32 $0x0  }
0xa6: {  	[sflag:s2] =	ssyncset.done $0x0  }
0xa7: {  	s10 =	simm.s32 $0x0;
	s30 =	simm.s32 $0x1400  }
0xa8: {  	p3 =	seq.s32 s0, $0x0;
	s22 =	simm.s32 $0xA;
	s23 =	simm.s32 $0xB  }
0xa9: {  	s25 =	simm.s32 $0x67;
	s1 =	simm.s32 $0xF;
	s3 =	simm.s32 $0x10  }
.Ltmp3:
0xaa: {  	s12 =	simm.s32 $0x11;
	s5 =	simm.s32 @!p1 $0x0;
	(pc) =	sbr.rel .LBB2_7-.Ltmp3, $4  }
0xab: {  	s26 =	simm.s32 $0x0;
	s29 =	simm.s32 $0x0;
	s5 =	simm.s32 @p1 $0x1  }
0xac: {  	v4 =	vimm.f32 $0.0e+00;
	v8 =	vimm.s32 $0xFFFFFFFF;
	vm0 =	vmmov $0x1;
	s31 =	simm.s32 $0x0;
	[smem:$0x7FC] =	sst s5;
	s5 =	simm.s32 @!p3 $0x0  }
0xad: {  	vm1 =	vcmask $0x3F0C;
	vm2 =	vcmask $0x3F08;
	v3 =	vlaneseq.u32;
	s0 =	simm.s32 $0x0;
	s2 =	simm.s32 $0x0;
	s5 =	simm.s32 @p3 $0x1  }
0xae: {  	v7 =	vimm.f32 $0.0e+00;
	v5 =	vimm.f32 $0.0e+00;
	v6 =	vimm.f32 $0.0e+00;
	s4 =	simm.s32 $0x0;
	s14 =	simm.s32 $0x0;
	[smem:$0x7FD] =	sst s5  }
.LBB2_16:
0xaf: {  	v9 =	vmov s14  }
0xb0: {  	v10 =	vshll.u32 v9, $0x7  }
0xb1: {  	s6 =	simm.s32 @!p0 $0xFFFFFFFF;
	p0 =	seq.s32 s5, $0x12C;
	v10 =	vor.u32 v3, v10  }
.Ltmp4:
0xb2: {  	_ = 	snop;
	(pc) =	sbr.rel @p0 .LBB2_17-.Ltmp4, $4  }
0xb3: {  	v11 =	vsel vm1, v4, v7  }
0xb4: {  	s16 =	simm.s32 $0x1E00;
	s26 =	simm.s32 $0x1F80;
	s31 =	smov.u32 s0;
	v12 =	vmov s6;
	v11 =	vsel vm2, v11, v5  }
0xb5: {  	s0 =	smov.u32 s2;
	s2 =	smov.u32 s11;
	s14 =	smov.u32 s5;
	[tilespmem:v9+s16+$0x0] =	vst.idx.msk $0x1, v12;
	v9 =	vsel vm0, v6, v11  }
0xb6: {  	[tilespmem:v10+s26+$0x0] =	vst.idx.msk $0xf, v9;
	s26 =	smov.u32 s29;
	s29 =	smov.u32 s4;
	s4 =	smov.u32 s13  }
.LBB2_7:
0xb7: {  	vm3 =	vge.s32 v8, v0;
	vm4 =	vlt.s32 v8, v1;
	v8 =	vsub.s32 v8, v0  }
0xb8: {  	vm3 =	vmand vm3, vm4;
	vm4 =	vgt.s32 v8, $0x0  }
0xb9: {  	vm3 =	vmand vm3, vm0;
	v8 =	vnsel vm4, $0x0, v8  }
0xba: {  	v8 =	vmin.u32 v8, $0x4FF;
	_ =	sdelay $0x3  }
0xbb: {  	v14 =	vimm.f32 $-Inf  }
0xbc: {  	s11 =	simm.s32 $0x0;
	[tilespmem:v8+s30+$0x0] =	vst.idx.msk vm3, v14  }
0xbd: {  	v9 =	vld [tilespmem:s11+$0x1920]  }
0xbe: {  	v10 =	vld [tilespmem:s11+$0xF20]  }
0xbf: {  	v11 =	vld [tilespmem:s11+$0x1910]  }
0xc0: {  	v12 =	vld [tilespmem:s11+$0x1900]  }
0xc1: {  	v13 =	vld [tilespmem:s11+$0xA10]  }
0xc2: {  	v15 =	vld [tilespmem:s11+$0xF10]  }
0xc3: {  	v16 =	vld [tilespmem:s11+$0x10]  }
0xc4: {  	v17 =	vld [tilespmem:s11+$0xF00]  }
0xc5: {  	v18 =	vld [tilespmem:s11+$0x510]  }
0xc6: {  	v19 =	vld [tilespmem:s11+$0x0]  }
0xc7: {  	v20 =	vld [tilespmem:s11+$0xA00]  }
0xc8: {  	v22 =	vld [tilespmem:s11+$0x520]  }
0xc9: {  	v21 =	vsub.f32 v4, v5;
	v8 =	vsub.f32 v7, v6;
	v23 =	vld [tilespmem:s11+$0xA20]  }
0xca: {  	v24 =	vld [tilespmem:s11+$0x500]  }
0xcb: {  	v25 =	vld [tilespmem:s11+$0xF30];
	v8 =	vmul.f32 v21, v8;
	v13 =	vmin.f32 v7, v13  }
0xcc: {  	s13 =	simm.s32 $0x40;
	v21 =	vld [tilespmem:s11+$0x20];
	v16 =	vmax.f32 v6, v16;
	v15 =	vmin.f32 v4, v15;
	v10 =	vmin.f32 v4, v10  }
0xcd: {  	v29 =	vld [tilespmem:s13+$0xA00];
	v12 =	vadd.f32 v12, v8;
	v11 =	vadd.f32 v11, v8;
	v17 =	vmin.f32 v4, v17  }
0xce: {  	v30 =	vld [tilespmem:s13+$0x520];
	v22 =	vmax.f32 v5, v22;
	v23 =	vmin.f32 v7, v23;
	v13 =	vsub.f32 v13, v16  }
0xcf: {  	v16 =	vmax.f32 v5, v18;
	v18 =	vmax.f32 v6, v19;
	v19 =	vmin.f32 v7, v20;
	v20 =	vld [tilespmem:s11+$0x530]  }
0xd0: {  	v24 =	vmax.f32 v5, v24;
	v10 =	vsub.f32 v10, v22;
	v15 =	vsub.f32 v15, v16;
	v16 =	vld [tilespmem:s11+$0x30]  }
0xd1: {  	v21 =	vmax.f32 v6, v21;
	v17 =	vsub.f32 v17, v24;
	v18 =	vsub.f32 v19, v18;
	v19 =	vld [tilespmem:s11+$0xA30]  }
0xd2: {  	v9 =	vadd.f32 v9, v8;
	v22 =	vld [tilespmem:s11+$0x1930];
	v21 =	vsub.f32 v23, v21;
	v13 =	vmax.f32 v13, $0.0e+00  }
0xd3: {  	v24 =	vld [tilespmem:s13+$0xA10];
	v10 =	vmax.f32 v10, $0.0e+00;
	v17 =	vmax.f32 v17, $0.0e+00;
	v15 =	vmax.f32 v15, $0.0e+00  }
0xd4: {  	v18 =	vmax.f32 v18, $0.0e+00;
	v15 =	vmul.f32 v15, v13;
	v13 =	vmax.f32 v21, $0.0e+00;
	v21 =	vld [tilespmem:s13+$0xF20]  }
0xd5: {  	v18 =	vmul.f32 v17, v18;
	v26 =	vmul.f32 v10, v13;
	v10 =	vld [tilespmem:s13+$0x1910];
	v20 =	vmax.f32 v5, v20  }
0xd6: {  	v11 =	vsub.f32 v11, v15;
	v13 =	vmax.f32 v6, v16;
	v16 =	vld [tilespmem:s13+$0x1900];
	v17 =	vmin.f32 v7, v19  }
0xd7: {  	v19 =	vmin.f32 v4, v25;
	v12 =	vsub.f32 v12, v18;
	v25 =	vld [tilespmem:s13+$0xF10];
	v9 =	vsub.f32 v9, v26  }
0xd8: {  	(erf) = vrcp.f32 v11;
	v11 =	vsub.f32 v17, v13;
	v13 =	vsub.f32 v19, v20;
	v17 =	vld [tilespmem:s13+$0x10]  }
0xd9: {  	v19 =	vld [tilespmem:s13+$0xF00];
	(erf) = vrcp.f32 v9;
	v21 =	vmin.f32 v4, v21  }
0xda: {  	v20 =	vld [tilespmem:s13+$0x500];
	(erf) = vrcp.f32 v12;
	v9 =	vmax.f32 v11, $0.0e+00;
	v11 =	vmax.f32 v13, $0.0e+00  }
0xdb: {  	v13 =	vld [tilespmem:s13+$0x510];
	v12 =	vadd.f32 v22, v8;
	v22 =	vmin.f32 v7, v24;
	v28 =	vmul.f32 v11, v9  }
0xdc: {  	v24 =	vld [tilespmem:s13+$0x0];
	v35 =	vadd.f32 v10, v8;
	v10 =	vadd.s32 $0x40, v2;
	v11 =	vimm.s32 $0x40000000  }
0xdd: {  	v23 =	vld [tilespmem:s13+$0x1920];
	v9 =	vadd.s32 $0x30, v2;
	v25 =	vmin.f32 v4, v25;
	v27 =	vsub.f32 v12, v28  }
0xde: {  	v16 =	vadd.f32 v16, v8;
	v17 =	vmax.f32 v6, v17;
	v12 =	vadd.s32 $0x20, v2  }
0xdf: {  	v31 =	vmin.f32 v4, v19;
	v20 =	vmax.f32 v5, v20;
	(erf) = vrcp.f32 v27  }
0xe0: {  	v32 =	vsub.f32 v22, v17;
	v20 =	vsub.f32 v31, v20;
	v27 =	vld [tilespmem:s13+$0xA20];
	v17 =	vmax.f32 v5, v13  }
0xe1: {  	v37 =	vld [tilespmem:s11+$0x1400];
	v24 =	vmax.f32 v6, v24;
	v34 =	vsub.f32 v25, v17;
	v25 =	vmin.f32 v7, v29;
	v19 =	vpop (erf)  }
0xe2: {  	v17 =	vadd.f32 v23, v8;
	v23 =	vld [tilespmem:s13+$0x20];
	v24 =	vsub.f32 v25, v24;
	v25 =	vmax.f32 v5, v30;
	v36 =	vpop (erf)  }
0xe3: {  	v33 =	vld [tilespmem:s11+$0x1410];
	v13 =	vadd.s32 $0x10, v2;
	v15 =	vmul.f32 v19, v15;
	v25 =	vsub.f32 v21, v25;
	v19 =	vpop (erf)  }
0xe4: {  	v38 =	vld [tilespmem:s11+$0x1420];
	v24 =	vmax.f32 v24, $0.0e+00;
	v26 =	vmul.f32 v36, v26;
	v18 =	vmul.f32 v19, v18  }
0xe5: {  	v22 =	vld [tilespmem:s13+$0x30];
	vm3 =	vgt.f32 v15, $6.999999880e-01;
	v15 =	vmax.f32 v32, $0.0e+00;
	v63 =	vmin.f32 v7, v27  }
0xe6: {  	v29 =	vld [tilespmem:s13+$0xA30];
	v32 =	vmax.f32 v20, $0.0e+00;
	vm4 =	vgt.f32 v18, $6.999999880e-01;
	v18 =	vmax.f32 v34, $0.0e+00  }
0xe7: {  	v19 =	vld [tilespmem:s13+$0x530];
	v23 =	vmax.f32 v6, v23;
	v15 =	vmul.f32 v18, v15;
	v21 =	vsel vm4, $0xFF800000, v37  }
0xe8: {  	v27 =	vld [tilespmem:s13+$0xF30];
	v18 =	vsel vm3, $0xFF800000, v33;
	vm4 =	vgt.f32 v26, $6.999999880e-01;
	v33 =	vsub.f32 v63, v23;
	[tilespmem:s11+$0x1400] =	vst v21;
	v31 =	vpop (erf)  }
0xe9: {  	vm3 =	vgt.f32 v21, v14;
	v21 =	vmax.f32 v14, v21;
	v23 =	vsel vm4, $0xFF800000, v38;
	v14 =	vmovc v2;
	v20 =	vld [tilespmem:s13+$0x1930]  }
0xea: {  	s5 =	simm.s32 $0x200;
	[tilespmem:s11+$0x1410] =	vst v18;
	v30 =	vsub.f32 v35, v15;
	v31 =	vmul.f32 v31, v28;
	v26 =	vmax.f32 v21, v18;
	v28 =	vld [tilespmem:s11+$0x1430]  }
.LBB2_8:
0xeb: {  	s6 =	sshra.s32 s5, $0x2;
	p2 =	sne.s32 s5, $0x1300;
	s5 =	sadd.s32 $0x100, s5;
	v22 =	vmax.f32 v6, v22;
	v29 =	vmin.f32 v7, v29;
	v34 =	vmax.f32 v26, v23  }
0xec: {  	v25 =	vmax.f32 v25, $0.0e+00;
	vm4 =	vgt.f32 v23, v26;
	v35 =	vld [tilespmem:s6+$0x1920];
	v33 =	vmax.f32 v33, $0.0e+00  }
0xed: {  	v22 =	vsub.f32 v29, v22;
	v26 =	vld [tilespmem:s6+$0xF20];
	v33 =	vmul.f32 v25, v33;
	v25 =	vmin.f32 v4, v27  }
0xee: {  	v24 =	vmul.f32 v32, v24;
	vm5 =	vgt.f32 v18, v21;
	vm6 =	vgt.f32 v31, $6.999999880e-01;
	v27 =	vld [tilespmem:s6+$0x1910];
	[tilespmem:s11+$0x1420] =	vst v23  }
0xef: {  	v19 =	vmax.f32 v5, v19;
	v11 =	vsel vm3, v14, v11;
	v14 =	vmovc v10;
	v18 =	vld [tilespmem:s6+$0x1900];
	v17 =	vsub.f32 v17, v33  }
0xf0: {  	v11 =	vsel vm5, v13, v11;
	v16 =	vsub.f32 v16, v24;
	v21 =	vld [tilespmem:s6+$0xA10];
	(erf) = vrcp.f32 v30  }
0xf1: {  	v19 =	vsub.f32 v25, v19;
	v13 =	vld [tilespmem:s6+$0xF10];
	(erf) = vrcp.f32 v17;
	v17 =	vsel vm6, $0xFF800000, v28  }
0xf2: {  	v11 =	vsel vm4, v12, v11;
	v22 =	vmax.f32 v22, $0.0e+00;
	v23 =	vld [tilespmem:s6+$0x10];
	(erf) = vrcp.f32 v16;
	[tilespmem:s11+$0x1430] =	vst v17;
	s11 =	smov.u32 s13;
	s13 =	smov.u32 s6  }
0xf3: {  	v12 =	vmax.f32 v19, $0.0e+00;
	vm3 =	vgt.f32 v17, v34;
	v28 =	vmax.f32 v34, v17;
	v16 =	vld [tilespmem:s13+$0xF00]  }
0xf4: {  	v31 =	vmul.f32 v12, v22;
	v12 =	vadd.f32 v20, v8;
	v11 =	vsel vm3, v9, v11;
	v17 =	vld [tilespmem:s13+$0x510]  }
0xf5: {  	v19 =	vld [tilespmem:s13+$0x500];
	v20 =	vmin.f32 v7, v21  }
0xf6: {  	v25 =	vmin.f32 v4, v26;
	v9 =	vadd.s32 $0x30, v10;
	v32 =	vsub.f32 v12, v31;
	v21 =	vld [tilespmem:s13+$0x0]  }
0xf7: {  	v12 =	vadd.s32 $0x20, v10;
	v29 =	vmin.f32 v4, v13;
	v26 =	vld [tilespmem:s13+$0xA00];
	v23 =	vmax.f32 v6, v23  }
0xf8: {  	v30 =	vmin.f32 v4, v16;
	v20 =	vsub.f32 v20, v23;
	v23 =	vld [tilespmem:s13+$0x520];
	(erf) = vrcp.f32 v32  }
0xf9: {  	v13 =	vadd.s32 $0x10, v10;
	v16 =	vadd.f32 v18, v8;
	v17 =	vmax.f32 v5, v17;
	v18 =	vld [tilespmem:s13+$0xA20];
	v22 =	vpop (erf)  }
0xfa: {  	v34 =	vadd.f32 v27, v8;
	v10 =	vadd.s32 $0x40, v10;
	v29 =	vsub.f32 v29, v17;
	v32 =	vld [tilespmem:s11+$0x1410];
	v36 =	vpop (erf)  }
0xfb: {  	v27 =	vmax.f32 v5, v19;
	v17 =	vadd.f32 v35, v8;
	v15 =	vmul.f32 v22, v15;
	v35 =	vld [tilespmem:s11+$0x1400];
	v19 =	vpop (erf)  }
0xfc: {  	v21 =	vmax.f32 v6, v21;
	v22 =	vmin.f32 v7, v26;
	v26 =	vld [tilespmem:s13+$0x20];
	v24 =	vmul.f32 v19, v24  }
0xfd: {  	vm3 =	vgt.f32 v15, $6.999999880e-01;
	v21 =	vsub.f32 v22, v21;
	v19 =	vmax.f32 v5, v23;
	v22 =	vld [tilespmem:s13+$0x30]  }
0xfe: {  	v15 =	vmax.f32 v20, $0.0e+00;
	v25 =	vsub.f32 v25, v19;
	v19 =	vld [tilespmem:s13+$0x530];
	vm4 =	vgt.f32 v24, $6.999999880e-01  }
0xff: {  	v20 =	vmax.f32 v29, $0.0e+00;
	v23 =	vmin.f32 v7, v18;
	v24 =	vmax.f32 v21, $0.0e+00;
	v37 =	vld [tilespmem:s11+$0x1420]  }
.Ltmp5:
0x100: {  	v15 =	vmul.f32 v20, v15;
	v21 =	vsub.f32 v30, v27;
	v29 =	vld [tilespmem:s13+$0xA30];
	v30 =	vsel vm4, $0xFF800000, v35;
	(pc) =	sbr.rel @p2 .LBB2_8-.Ltmp5, $4  }
0x101: {  	v33 =	vmul.f32 v36, v33;
	v18 =	vsel vm3, $0xFF800000, v32;
	v26 =	vmax.f32 v6, v26;
	v27 =	vld [tilespmem:s13+$0xF30];
	[tilespmem:s11+$0x1400] =	vst v30;
	v35 =	vpop (erf)  }
0x102: {  	v32 =	vmax.f32 v21, $0.0e+00;
	vm3 =	vgt.f32 v30, v28;
	v21 =	vmax.f32 v28, v30;
	v20 =	vld [tilespmem:s13+$0x1930];
	[tilespmem:s11+$0x1410] =	vst v18  }
0x103: {  	vm4 =	vgt.f32 v33, $6.999999880e-01;
	v30 =	vsub.f32 v34, v15;
	v31 =	vmul.f32 v35, v31  }
0x104: {  	v33 =	vsub.f32 v23, v26;
	v26 =	vmax.f32 v21, v18;
	v23 =	vsel vm4, $0xFF800000, v37;
	v28 =	vld [tilespmem:s11+$0x1430]  }
0x105: {  	v25 =	vmax.f32 v25, $0.0e+00;
	(erf) = vrcp.f32 v30  }
0x106: {  	v6 =	vmax.f32 v6, v22;
	v7 =	vmin.f32 v7, v29;
	v33 =	vmax.f32 v33, $0.0e+00  }
0x107: {  	v5 =	vmax.f32 v5, v19;
	v4 =	vmin.f32 v4, v27;
	v25 =	vmul.f32 v25, v33  }
0x108: {  	v24 =	vmul.f32 v32, v24;
	v6 =	vsub.f32 v7, v6;
	v4 =	vsub.f32 v4, v5  }
0x109: {  	v17 =	vsub.f32 v17, v25  }
0x10a: {  	v16 =	vsub.f32 v16, v24;
	v5 =	vmax.f32 v6, $0.0e+00;
	v4 =	vmax.f32 v4, $0.0e+00  }
0x10b: {  	v4 =	vmul.f32 v4, v5;
	v5 =	vadd.f32 v20, v8;
	(erf) = vrcp.f32 v17  }
0x10c: {  	(erf) = vrcp.f32 v16  }
0x10d: {  	v5 =	vsub.f32 v5, v4;
	_ =	sdelay $0x1  }
0x10e: {  	v46 =	vpop (erf);
	(erf) = vrcp.f32 v5;
	_ =	sdelay $0x1  }
0x10f: {  	vm4 =	vgt.f32 v31, $6.999999880e-01  }
0x110: {  	[tilespmem:s11+$0x1420] =	vst v23;
	v45 =	vsel vm4, $0xFF800000, v28  }
0x111: {  	[tilespmem:s11+$0x1430] =	vst v45  }
0x112: {  	v47 =	vld [tilespmem:s13+$0x1400];
	v5 =	vpop (erf)  }
0x113: {  	v48 =	vld [tilespmem:s13+$0x1410];
	v49 =	vpop (erf)  }
0x114: {  	v50 =	vld [tilespmem:s13+$0x1420];
	v17 =	vmul.f32 v49, v24  }
0x115: {  	v53 =	vmax.f32 v26, v23;
	v52 =	vld [tilespmem:s13+$0x1430];
	v7 =	vmul.f32 v46, v15  }
0x116: {  	v55 =	vmax.f32 v53, v45;
	v5 =	vmul.f32 v5, v25;
	v54 =	vpop (erf);
	vm11 =	vgt.f32 v17, $6.999999880e-01  }
0x117: {  	vm5 =	vgt.f32 v7, $6.999999880e-01;
	v4 =	vmul.f32 v54, v4;
	v8 =	vsel vm11, $0xFF800000, v47  }
0x118: {  	v51 =	vsel vm5, $0xFF800000, v48;
	vm12 =	vgt.f32 v5, $6.999999880e-01;
	v56 =	vmax.f32 v55, v8  }
0x119: {  	v7 =	vsel vm12, $0xFF800000, v50;
	vm13 =	vgt.f32 v4, $6.999999880e-01;
	v5 =	vmax.f32 v56, v51  }
0x11a: {  	v16 =	vsel vm13, $0xFF800000, v52;
	v4 =	vmax.f32 v5, v7  }
0x11b: {  	v57 =	vmax.f32 v4, v16  }
0x11c: {  	(xrf0) =	vmax.scan.msk.f32 $0xffff, v57  }
0x11d: {  	vm14 =	vgt.f32 v18, v21;
	v11 =	vsel vm3, v14, v11  }
0x11e: {  	vm3 =	vgt.f32 v23, v26;
	v11 =	vsel vm14, v13, v11  }
0x11f: {  	v11 =	vsel vm3, v12, v11;
	vm3 =	vgt.f32 v45, v53  }
0x120: {  	v58 =	vadd.s32 $0x30, v10;
	v6 =	vsel vm3, v9, v11;
	vm3 =	vgt.f32 v8, v55  }
0x121: {  	v59 =	vadd.s32 $0x10, v10;
	vm15 =	vgt.f32 v51, v56;
	v6 =	vsel vm3, v10, v6  }
0x122: {  	v60 =	vadd.s32 $0x20, v10;
	vm3 =	vgt.f32 v7, v5;
	v5 =	vsel vm15, v59, v6;
	v61, _, _ =	vpop (xrf0)  }
0x123: {  	v5 =	vsel vm3, v60, v5;
	vm3 =	vgt.f32 v16, v4;
	v4 =	vbroadcast v61, $0xF  }
0x124: {  	v5 =	vsel vm3, v58, v5  }
0x125: {  	v5 =	vxor.u32 $0x80000000, v5;
	vm3 =	veq.f32 v57, v4  }
0x126: {  	v5 =	vnsel vm3, $0xC0000000, v5  }
0x127: {  	(xrf0) =	vmin.scan.msk.u32 $0xffff, v5;
	_ =	sdelay $0x5  }
0x128: {  	(v2sf) =	vpush v61, $0xF;
	v5, _, _ =	vpop (xrf0)  }
0x129: {  	(v2sf) =	vpush v5, $0xF;
	_ =	sdelay $0xd  }
0x12a: {  	s5 =	spop (v2sf)  }
0x12b: {  	s6 =	spop (v2sf)  }
0x12c: {  	s11 =	sxor.u32 $0x80000000, s6  }
0x12d: {  	s6 =	ssub.s32 s11, s17  }
0x12e: {  	p0 =	sgt.s32 s6, $0x0  }
0x12f: {  	s6 =	simm.s32 @!p0 $0x0  }
0x130: {  	s6 =	smin.u32 s6, $0x4FF  }
0x131: {  	v5 =	vmov s6  }
0x132: {  	v5 =	vbroadcast v5, $0x0;
	_ =	sdelay $0x1  }
0x133: {  	[tilespmem:s13+$0x1410] =	vst v51  }
0x134: {  	[tilespmem:s13+$0x1420] =	vst v7  }
0x135: {  	[tilespmem:s13+$0x1400] =	vst v8  }
0x136: {  	[tilespmem:s13+$0x1430] =	vst v16  }
0x137: {  	s8 =	simm.s32 $0x500;
	v62 =	vld.idx.msk [tilespmem:v5+s10+$0x0], $0xffff  }
0x138: {  	s9 =	simm.s32 $0xA00;
	v7 =	vld.idx.msk [tilespmem:v5+s8+$0x0], $0xffff  }
0x139: {  	s13 =	simm.s32 $0xF00;
	v63 =	vld.idx.msk [tilespmem:v5+s9+$0x0], $0xffff  }
0x13a: {  	v5 =	vld.idx.msk [tilespmem:v5+s13+$0x0], $0xffff  }
0x13b: {  	v4 =	vxor.u32 $0x80000000, v4  }
0x13c: {  	(xrf0) =	vmax.scan.msk.u32 $0xffff, v4;
	v4 =	vxor.u32 $0x80000000, v62  }
0x13d: {  	(xrf0) =	vmax.scan.msk.u32 $0xffff, v4;
	v4 =	vxor.u32 $0x80000000, v7  }
0x13e: {  	(xrf0) =	vmax.scan.msk.u32 $0xffff, v4;
	v4 =	vxor.u32 $0x80000000, v63  }
0x13f: {  	(xrf0) =	vmax.scan.msk.u32 $0xffff, v4;
	v4 =	vxor.u32 $0x80000000, v5  }
0x140: {  	(xrf0) =	vmax.scan.msk.u32 $0xffff, v4;
	_ =	sdelay $0x1  }
0x141: {  	v4, _, _ =	vpop (xrf0)  }
0x142: {  	v5, _, _ =	vpop (xrf0);
	(v2sf) =	vpush v4, $0xF  }
0x143: {  	v4, _, _ =	vpop (xrf0);
	(v2sf) =	vpush v5, $0xF  }
0x144: {  	v5, _, _ =	vpop (xrf0);
	(v2sf) =	vpush v4, $0xF  }
0x145: {  	(v2sf) =	vpush v5, $0xF;
	v4, _, _ =	vpop (xrf0)  }
0x146: {  	(v2sf) =	vpush v4, $0xF;
	_ =	sdelay $0xa  }
0x147: {  	p0 =	sgt.f32 s5, $-Inf;
	s15 =	spop (v2sf)  }
0x148: {  	s16 =	spop (v2sf);
	s13 =	sxor.u32 $0x80000000, s15  }
0x149: {  	s9 =	simm.s32 $0x3;
	s6 =	spop (v2sf);
	s13 =	simm.s32 @!p0 $0xFFFFFFFF  }
0x14a: {  	[sflag:s9] =	ssyncset.done $0x0;
	s7 =	spop (v2sf);
	s4 =	ssub.s32 s13, s4  }
0x14b: {  	[smem:s18], [sflag:$0x3] =	smem.add.s32 s4;
	s8 =	spop (v2sf)  }
0x14c: {  	_ =	swait.done [sflag:s9]  }
0x14d: {  	[sflag:s9] =	ssyncset.s32 $0x0  }
0x14e: {  	s15 =	simm.s32 $0x4;
	[sflag:s9] =	ssyncset.done $0x0  }
0x14f: {  	s2 =	ssub.s32 s11, s2;
	[sflag:s15] =	ssyncset.done $0x0  }
0x150: {  	[smem:s19], [sflag:$0x4] =	smem.add.s32 s2  }
0x151: {  	_ =	swait.done [sflag:s15]  }
0x152: {  	[sflag:s15] =	ssyncset.s32 $0x0  }
0x153: {  	s2 =	sxor.u32 $0x80000000, s16;
	s16 =	simm.s32 $0x5;
	[sflag:s15] =	ssyncset.done $0x0  }
0x154: {  	s0 =	ssub.s32 s2, s0;
	[sflag:s16] =	ssyncset.done $0x0  }
0x155: {  	[smem:s20], [sflag:$0x5] =	smem.add.s32 s0  }
0x156: {  	_ =	swait.done [sflag:s16]  }
0x157: {  	[sflag:s16] =	ssyncset.s32 $0x0  }
0x158: {  	s0 =	sxor.u32 $0x80000000, s6;
	s6 =	simm.s32 $0x6;
	[sflag:s16] =	ssyncset.done $0x0  }
0x159: {  	s5 =	ssub.s32 s0, s31;
	[sflag:s6] =	ssyncset.done $0x0  }
0x15a: {  	[smem:s21], [sflag:$0x6] =	smem.add.s32 s5  }
0x15b: {  	_ =	swait.done [sflag:s6]  }
0x15c: {  	[sflag:s6] =	ssyncset.s32 $0x0  }
0x15d: {  	s4 =	sxor.u32 $0x80000000, s7;
	s15 =	simm.s32 $0x7;
	[sflag:s6] =	ssyncset.done $0x0  }
0x15e: {  	s9 =	ssub.s32 s4, s29;
	[sflag:s15] =	ssyncset.done $0x0  }
0x15f: {  	[smem:s24], [sflag:$0x7] =	smem.add.s32 s9  }
0x160: {  	_ =	swait.done [sflag:s15]  }
0x161: {  	s29 =	sxor.u32 $0x80000000, s8;
	[sflag:s15] =	ssyncset.s32 $0x0  }
0x162: {  	s16 =	ssub.s32 s29, s26;
	s26 =	simm.s32 $0x8;
	[sflag:s15] =	ssyncset.done $0x0  }
0x163: {  	[sflag:s26] =	ssyncset.done $0x0  }
0x164: {  	[smem:s28], [sflag:$0x8] =	smem.add.s32 s16  }
0x165: {  	_ =	swait.done [sflag:s26]  }
0x166: {  	[sflag:s26] =	ssyncset.s32 $0x0  }
0x167: {  	s31 =	simm.s32 $0x9;
	[sflag:s26] =	ssyncset.done $0x0  }
.Ltmp6:
0x168: {  	[sflag:s31] =	ssyncset.done $0x0;
	(pc) =	sbr.rel @p3 .LBB2_11-.Ltmp6, $4  }
0x169: {  	[smem:s10], [sflag:$0x9] =	smem.add.s32 $0x1  }
0x16a: {  	_ =	swait.done [sflag:s31]  }
0x16b: {  	[sflag:s31] =	ssyncset.s32 $0x0  }
0x16c: {  	[sflag:s31] =	ssyncset.done $0x0  }
.Ltmp7:
0x16d: {  	(pc) =	sbr.rel .LBB2_14-.Ltmp7, $2  }
0x16e: {  	_ =	sdelay $0x2  }
0x16f: {  	s5 =	sadd.s32 $0x1, s14  }
.LBB2_11:
0x170: {  	s30 =	smov.u32 s28;
	s28 =	smov.u32 s24;
	s24 =	smov.u32 s21  }
0x171: {  	s21 =	smov.u32 s20;
	s20 =	smov.u32 s19;
	s5 =	sshll.u32 s14, $0x4  }
0x172: {  	s19 =	smov.u32 s18;
	s18 =	smov.u32 s17;
	s5 =	sadd.s32 $0x20, s5  }
.LBB2_12:
0x173: {  	[sflag:s22] =	ssyncset.done $0x0  }
0x174: {  	[smem:s10], [sflag:$0xA] =	smem.add.s32 $0x0  }
0x175: {  	_ =	swait.done [sflag:s22]  }
0x176: {  	s6 =	ssyncread [sflag:$0xA];
	_ =	sdelay $0x2  }
0x177: {  	p0 =	slt.s32 s6, s5  }
.Ltmp8:
0x178: {  	_ = 	snop;
	(pc) =	sbr.rel @p0 .LBB2_12-.Ltmp8, $3  }
0x179: {  	_ =	sdelay $0x1  }
0x17a: {  	[sflag:s22] =	ssyncset.s32 $0x0  }
0x17b: {  	[sflag:s22] =	ssyncset.done $0x0  }
0x17c: {  	s26 =	sld [smem:$0x1]  }
0x17d: {  	s31 =	sld [smem:$0x2]  }
0x17e: {  	s5 =	sld [smem:$0x7]  }
0x17f: {  	s6 =	sld [smem:$0x8];
	_ =	sdelay $0x2  }
0x180: {  	p0 =	seq.s32 s5, s26;
	p1 =	slt.s32 s6, s31  }
0x181: {  	s7 =	sld [smem:$0xD];
	p0 =	por !p0, !p1  }
0x182: {  	s8 =	sld [smem:$0xE];
	p2 =	sgt.s32 s5, s26;
	p0 =	por !p0, !p0  }
0x183: {  	p4 =	por p2, p0  }
0x184: {  	s26 =	smov.u32 @p4 s5;
	s31 =	smov.u32 @p4 s6  }
0x185: {  	p3 =	seq.s32 s7, s26;
	p5 =	slt.s32 s8, s31  }
0x186: {  	s5 =	sld [smem:$0x13];
	p0 =	por !p3, !p5  }
0x187: {  	s6 =	sld [smem:$0x14];
	p6 =	sgt.s32 s7, s26;
	p0 =	por !p0, !p0  }
0x188: {  	p6 =	por p6, p0  }
0x189: {  	s26 =	smov.u32 @p6 s7;
	s31 =	smov.u32 @p6 s8  }
0x18a: {  	p2 =	seq.s32 s5, s26;
	p3 =	slt.s32 s6, s31  }
0x18b: {  	s7 =	sld [smem:$0x19];
	p0 =	por !p2, !p3  }
0x18c: {  	s8 =	sld [smem:$0x1A];
	p5 =	sgt.s32 s5, s26;
	p0 =	por !p0, !p0  }
0x18d: {  	p0 =	por p5, p0  }
0x18e: {  	s26 =	smov.u32 @p0 s5;
	s31 =	smov.u32 @p0 s6  }
0x18f: {  	s9 =	simm.s32 @!p0 $0x0;
	p2 =	seq.s32 s7, s26;
	p3 =	slt.s32 s8, s31  }
0x190: {  	s5 =	sld [smem:$0x1F];
	s9 =	simm.s32 @p0 $0x1;
	p0 =	por !p2, !p3  }
0x191: {  	s6 =	sld [smem:$0x20];
	p5 =	sgt.s32 s7, s26;
	p0 =	por !p0, !p0  }
0x192: {  	p0 =	por p5, p0  }
0x193: {  	[smem:$0x7F7] =	sst s9;
	s26 =	smov.u32 @p0 s7;
	s31 =	smov.u32 @p0 s8  }
0x194: {  	s9 =	simm.s32 @!p0 $0x0;
	p2 =	seq.s32 s5, s26;
	p3 =	slt.s32 s6, s31  }
0x195: {  	s7 =	sld [smem:$0x25];
	s9 =	simm.s32 @p0 $0x1;
	p0 =	por !p2, !p3  }
0x196: {  	s8 =	sld [smem:$0x26];
	p5 =	sgt.s32 s5, s26;
	p0 =	por !p0, !p0  }
0x197: {  	p0 =	por p5, p0  }
0x198: {  	[smem:$0x7F8] =	sst s9;
	s26 =	smov.u32 @p0 s5;
	s31 =	smov.u32 @p0 s6  }
0x199: {  	s9 =	simm.s32 @!p0 $0x0;
	p2 =	seq.s32 s7, s26;
	p3 =	slt.s32 s8, s31  }
0x19a: {  	s5 =	sld [smem:$0x2B];
	s9 =	simm.s32 @p0 $0x1;
	p0 =	por !p2, !p3  }
0x19b: {  	s6 =	sld [smem:$0x2C];
	p5 =	sgt.s32 s7, s26;
	p0 =	por !p0, !p0  }
0x19c: {  	p0 =	por p5, p0  }
0x19d: {  	[smem:$0x7F9] =	sst s9;
	s26 =	smov.u32 @p0 s7;
	s31 =	smov.u32 @p0 s8  }
0x19e: {  	s9 =	simm.s32 @!p0 $0x0;
	p2 =	seq.s32 s5, s26;
	p3 =	slt.s32 s6, s31  }
0x19f: {  	s7 =	sld [smem:$0x31];
	s9 =	simm.s32 @p0 $0x1;
	p0 =	por !p2, !p3  }
0x1a0: {  	s8 =	sld [smem:$0x32];
	p5 =	sgt.s32 s5, s26;
	p0 =	por !p0, !p0  }
0x1a1: {  	p3 =	por p5, p0  }
0x1a2: {  	s26 =	smov.u32 @p3 s5;
	s31 =	smov.u32 @p3 s6  }
0x1a3: {  	s15 =	sld [smem:$0x38];
	p1 =	seq.s32 s7, s26;
	p2 =	slt.s32 s8, s31  }
0x1a4: {  	[smem:$0x7FA] =	sst s9;
	p0 =	por !p1, !p2  }
0x1a5: {  	s9 =	sld [smem:$0x37];
	p5 =	sgt.s32 s7, s26;
	p0 =	por !p0, !p0  }
0x1a6: {  	s16 =	sld [smem:$0x3D];
	p2 =	por p5, p0  }
0x1a7: {  	s17 =	sld [smem:$0x3E];
	s26 =	smov.u32 @p2 s7;
	s31 =	smov.u32 @p2 s8  }
0x1a8: {  	s5 =	simm.s32 $0x9;
	p1 =	seq.s32 s9, s26;
	p5 =	slt.s32 s15, s31  }
0x1a9: {  	s6 =	simm.s32 $0xB;
	s5 =	simm.s32 @!p4 $0x3;
	p0 =	por !p1, !p5  }
0x1aa: {  	s7 =	simm.s32 $0xA;
	p5 =	sgt.s32 s9, s26;
	p0 =	por !p0, !p0  }
0x1ab: {  	s6 =	simm.s32 @!p4 $0x5;
	s7 =	simm.s32 @!p4 $0x4;
	p0 =	por p5, p0  }
0x1ac: {  	s8 =	simm.s32 @!p0 $0x0;
	s26 =	smov.u32 @p0 s9;
	s31 =	smov.u32 @p0 s15  }
0x1ad: {  	s8 =	simm.s32 @p0 $0x1;
	p1 =	seq.s32 s16, s26;
	p5 =	slt.s32 s17, s31  }
0x1ae: {  	[smem:$0x7FB] =	sst s8;
	s8 =	simm.s32 $0xC;
	p0 =	por !p1, !p5  }
0x1af: {  	s8 =	simm.s32 @!p4 $0x6;
	p0 =	por !p0, !p0;
	p4 =	sgt.s32 s16, s26  }
0x1b0: {  	s9 =	sld [smem:$0x43];
	p0 =	por p4, p0  }
0x1b1: {  	s26 =	smov.u32 @p0 s16;
	s16 =	sld [smem:$0x7F7]  }
0x1b2: {  	s5 =	simm.s32 @p6 $0xF;
	s6 =	simm.s32 @p6 $0x11;
	s7 =	simm.s32 @p6 $0x10  }
0x1b3: {  	s15 =	sld [smem:$0x44];
	s8 =	simm.s32 @p6 $0x12;
	s31 =	smov.u32 @p0 s17  }
0x1b4: {  	s17 =	sld [smem:$0x7F8];
	p1 =	seq.s32 s9, s26;
	p4 =	seq.s32 s16, $0x1  }
0x1b5: {  	s16 =	sld [smem:$0x49];
	s5 =	simm.s32 @p4 $0x15;
	s7 =	simm.s32 @p4 $0x16  }
0x1b6: {  	s6 =	simm.s32 @p4 $0x17;
	s8 =	simm.s32 @p4 $0x18;
	p4 =	slt.s32 s15, s31  }
0x1b7: {  	p5 =	por !p1, !p4;
	p4 =	seq.s32 s17, $0x1;
	p1 =	sgt.s32 s9, s26  }
0x1b8: {  	s17 =	sld [smem:$0x7F9];
	s5 =	simm.s32 @p4 $0x1B;
	p5 =	por !p5, !p5  }
0x1b9: {  	s7 =	simm.s32 @p4 $0x1C;
	s6 =	simm.s32 @p4 $0x1D;
	p5 =	por p1, p5  }
0x1ba: {  	s8 =	simm.s32 @p4 $0x1E;
	s26 =	smov.u32 @p5 s9;
	s9 =	sld [smem:$0x4A]  }
0x1bb: {  	s31 =	smov.u32 @p5 s15;
	p4 =	seq.s32 s17, $0x1;
	s17 =	sld [smem:$0x7FA]  }
0x1bc: {  	s5 =	simm.s32 @p4 $0x21;
	s7 =	simm.s32 @p4 $0x22;
	s6 =	simm.s32 @p4 $0x23  }
0x1bd: {  	s8 =	simm.s32 @p4 $0x24;
	p4 =	seq.s32 s16, s26;
	p1 =	slt.s32 s9, s31  }
0x1be: {  	s15 =	sld [smem:$0x4F];
	p6 =	seq.s32 s17, $0x1;
	p4 =	por !p4, !p1  }
0x1bf: {  	s17 =	sld [smem:$0x7FB];
	p1 =	sgt.s32 s16, s26;
	p4 =	por !p4, !p4  }
0x1c0: {  	s5 =	simm.s32 @p6 $0x27;
	s7 =	simm.s32 @p6 $0x28;
	p4 =	por p1, p4  }
0x1c1: {  	s6 =	simm.s32 @p6 $0x29;
	s31 =	smov.u32 @p4 s9;
	s9 =	sld [smem:$0x50]  }
0x1c2: {  	s8 =	simm.s32 @p6 $0x2A;
	s5 =	simm.s32 @p3 $0x2D;
	s7 =	simm.s32 @p3 $0x2E  }
0x1c3: {  	s6 =	simm.s32 @p3 $0x2F;
	s8 =	simm.s32 @p3 $0x30;
	s26 =	smov.u32 @p4 s16  }
0x1c4: {  	s5 =	simm.s32 @p2 $0x33;
	p6 =	seq.s32 s15, s26;
	p1 =	slt.s32 s9, s31  }
0x1c5: {  	s7 =	simm.s32 @p2 $0x34;
	s6 =	simm.s32 @p2 $0x35;
	p3 =	por !p6, !p1  }
0x1c6: {  	s8 =	simm.s32 @p2 $0x36;
	p6 =	sgt.s32 s15, s26;
	p2 =	por !p3, !p3  }
0x1c7: {  	p2 =	por p6, p2  }
0x1c8: {  	s26 =	smov.u32 @p2 s15;
	s15 =	sld [smem:$0x55]  }
0x1c9: {  	p1 =	seq.s32 s17, $0x1;
	s31 =	smov.u32 @p2 s9;
	s9 =	sld [smem:$0x56]  }
0x1ca: {  	s5 =	simm.s32 @p1 $0x39;
	s7 =	simm.s32 @p1 $0x3A  }
0x1cb: {  	s6 =	simm.s32 @p1 $0x3B;
	s8 =	simm.s32 @p1 $0x3C;
	s5 =	simm.s32 @p0 $0x3F  }
0x1cc: {  	s7 =	simm.s32 @p0 $0x40;
	p3 =	seq.s32 s15, s26;
	p6 =	slt.s32 s9, s31  }
0x1cd: {  	s6 =	simm.s32 @p0 $0x41;
	s8 =	simm.s32 @p0 $0x42;
	p0 =	por !p3, !p6  }
0x1ce: {  	p3 =	sgt.s32 s15, s26;
	p0 =	por !p0, !p0  }
0x1cf: {  	p0 =	por p3, p0  }
0x1d0: {  	s26 =	smov.u32 @p0 s15;
	s15 =	sld [smem:$0x5B]  }
0x1d1: {  	s5 =	simm.s32 @p5 $0x45;
	s31 =	smov.u32 @p0 s9;
	s9 =	sld [smem:$0x5C]  }
0x1d2: {  	s7 =	simm.s32 @p5 $0x46;
	s6 =	simm.s32 @p5 $0x47;
	s8 =	simm.s32 @p5 $0x48  }
0x1d3: {  	s5 =	simm.s32 @p4 $0x4B;
	s7 =	simm.s32 @p4 $0x4C;
	s6 =	simm.s32 @p4 $0x4D  }
0x1d4: {  	s8 =	simm.s32 @p4 $0x4E;
	p4 =	seq.s32 s15, s26;
	p5 =	slt.s32 s9, s31  }
0x1d5: {  	s5 =	simm.s32 @p2 $0x51;
	p1 =	por !p4, !p5  }
0x1d6: {  	s7 =	simm.s32 @p2 $0x52;
	p6 =	sgt.s32 s15, s26;
	p1 =	por !p1, !p1  }
0x1d7: {  	s6 =	simm.s32 @p2 $0x53;
	s5 =	simm.s32 @p0 $0x57;
	p1 =	por p6, p1  }
0x1d8: {  	s8 =	simm.s32 @p2 $0x54;
	s7 =	simm.s32 @p0 $0x58;
	s5 =	simm.s32 @p1 $0x5D  }
0x1d9: {  	s6 =	simm.s32 @p0 $0x59;
	s7 =	simm.s32 @p1 $0x5E;
	s5 =	sld [smem:s5+$0x0]  }
0x1da: {  	s8 =	simm.s32 @p0 $0x5A;
	s6 =	simm.s32 @p1 $0x5F;
	s7 =	sld [smem:s7+$0x0]  }
0x1db: {  	s8 =	simm.s32 @p1 $0x60;
	s6 =	sld [smem:s6+$0x0]  }
0x1dc: {  	s26 =	smov.u32 @p1 s15;
	s8 =	sld [smem:s8+$0x0]  }
0x1dd: {  	[smem:$0x61] =	sst s26  }
0x1de: {  	s31 =	smov.u32 @p1 s9;
	s26 =	sld [smem:$0x7FC]  }
0x1df: {  	[smem:$0x62] =	sst s31  }
0x1e0: {  	s17 =	smov.u32 s18;
	s31 =	sld [smem:$0x7FD]  }
0x1e1: {  	s18 =	smov.u32 s19;
	s19 =	smov.u32 s20;
	[smem:$0x63] =	sst s5  }
0x1e2: {  	s20 =	smov.u32 s21;
	s21 =	smov.u32 s24;
	[smem:$0x64] =	sst s7  }
0x1e3: {  	s24 =	smov.u32 s28;
	s28 =	smov.u32 s30;
	[smem:$0x65] =	sst s6  }
0x1e4: {  	s30 =	simm.s32 $0x1400;
	s5 =	sadd.s32 $0x1, s14;
	[smem:$0x66] =	sst s8  }
0x1e5: {  	p1 =	seq.s32 s26, $0x1;
	p3 =	seq.s32 s31, $0x1;
	[smem:$0x67] =	sst s5  }
.LBB2_14:
0x1e6: {  	[sflag:s23] =	ssyncset.done $0x0  }
0x1e7: {  	[smem:s25], [sflag:$0xB] =	smem.add.s32 $0x0  }
0x1e8: {  	_ =	swait.done [sflag:s23]  }
0x1e9: {  	s6 =	ssyncread [sflag:$0xB];
	_ =	sdelay $0x2  }
0x1ea: {  	p0 =	sne.s32 s6, s5  }
.Ltmp9:
0x1eb: {  	_ = 	snop;
	(pc) =	sbr.rel @p0 .LBB2_14-.Ltmp9, $3  }
0x1ec: {  	_ =	sdelay $0x1  }
0x1ed: {  	[sflag:s23] =	ssyncset.s32 $0x0  }
0x1ee: {  	[sflag:s23] =	ssyncset.done $0x0  }
0x1ef: {  	s6 =	simm.s32 $0xC  }
0x1f0: {  	s7 =	simm.s32 $0x61;
	[sflag:s6] =	ssyncset.done $0x0  }
0x1f1: {  	[smem:s7], [sflag:$0xC] =	smem.add.s32 $0x0  }
0x1f2: {  	_ =	swait.done [sflag:s6]  }
0x1f3: {  	s7 =	ssyncread [sflag:$0xC]  }
0x1f4: {  	[sflag:s6] =	ssyncset.s32 $0x0  }
0x1f5: {  	s8 =	simm.s32 $0xD;
	[sflag:s6] =	ssyncset.done $0x0  }
0x1f6: {  	s9 =	simm.s32 $0x62;
	[sflag:s8] =	ssyncset.done $0x0  }
0x1f7: {  	[smem:s9], [sflag:$0xD] =	smem.add.s32 $0x0  }
0x1f8: {  	_ =	swait.done [sflag:s8]  }
0x1f9: {  	s6 =	ssyncread [sflag:$0xD]  }
0x1fa: {  	[sflag:s8] =	ssyncset.s32 $0x0  }
0x1fb: {  	s9 =	simm.s32 $0xE;
	[sflag:s8] =	ssyncset.done $0x0  }
0x1fc: {  	s15 =	simm.s32 $0x63;
	[sflag:s9] =	ssyncset.done $0x0  }
0x1fd: {  	[smem:s15], [sflag:$0xE] =	smem.add.s32 $0x0  }
0x1fe: {  	_ =	swait.done [sflag:s9]  }
0x1ff: {  	s8 =	ssyncread [sflag:$0xE]  }
0x200: {  	[sflag:s9] =	ssyncset.s32 $0x0  }
0x201: {  	[sflag:s9] =	ssyncset.done $0x0  }
0x202: {  	s16 =	simm.s32 $0x64;
	[sflag:s1] =	ssyncset.done $0x0  }
0x203: {  	[smem:s16], [sflag:$0xF] =	smem.add.s32 $0x0  }
0x204: {  	_ =	swait.done [sflag:s1]  }
0x205: {  	s9 =	ssyncread [sflag:$0xF]  }
0x206: {  	[sflag:s1] =	ssyncset.s32 $0x0  }
0x207: {  	[sflag:s1] =	ssyncset.done $0x0  }
0x208: {  	s15 =	simm.s32 $0x65;
	[sflag:s3] =	ssyncset.done $0x0  }
0x209: {  	[smem:s15], [sflag:$0x10] =	smem.add.s32 $0x0  }
0x20a: {  	_ =	swait.done [sflag:s3]  }
0x20b: {  	s26 =	ssyncread [sflag:$0x10]  }
0x20c: {  	[sflag:s3] =	ssyncset.s32 $0x0  }
0x20d: {  	[sflag:s3] =	ssyncset.done $0x0  }
0x20e: {  	s16 =	simm.s32 $0x66;
	[sflag:s12] =	ssyncset.done $0x0  }
0x20f: {  	[smem:s16], [sflag:$0x11] =	smem.add.s32 $0x0  }
0x210: {  	_ =	swait.done [sflag:s12]  }
0x211: {  	s31 =	ssyncread [sflag:$0x11]  }
0x212: {  	v4 =	vmov s8  }
.Ltmp10:
0x213: {  	v4 =	vbroadcast v4, $0x0;
	v5 =	vmov s9;
	(pc) =	sbr.rel @!p1 .LBB2_16-.Ltmp10, $4  }
0x214: {  	v5 =	vbroadcast v5, $0x0;
	v6 =	vmov s26;
	v7 =	vmov s31  }
0x215: {  	p0 =	sgt.s32 s7, $0xFFFFFFFF;
	v8 =	vbroadcast v6, $0x0;
	v9 =	vbroadcast v7, $0x0  }
0x216: {  	v10 =	vmov s6;
	v5 =	vpsel !p0, $0x0, v5;
	v6 =	vpsel !p0, $0x0, v4;
	[sflag:s12] =	ssyncset.s32 $0x0  }
0x217: {  	[sflag:s12] =	ssyncset.done $0x0;
	v7 =	vpsel !p0, $0x0, v8;
	v8 =	vpsel !p0, $0xFFFFFFFF, v10;
	v4 =	vpsel !p0, $0x0, v9  }
0x218: {  	p0 =	seq.s32 s5, $0x12C  }
.Ltmp11:
0x219: {  	_ = 	snop;
	(pc) =	sbr.rel @!p0 .LBB2_7-.Ltmp11, $4  }
.Ltmp12:
0x21a: {  	_ = 	snop;
	(pc) =	sbr.rel @p0 .LBB2_18-.Ltmp12, $4  }
0x21b: {  	s26 =	smov.u32 s29  }
0x21c: {  	s29 =	smov.u32 s4;
	s31 =	smov.u32 s0;
	s0 =	smov.u32 s2  }
0x21d: {  	s2 =	smov.u32 s11;
	s4 =	smov.u32 s13;
	s14 =	smov.u32 s5  }
0x21e: {  	_ = 	snop  }
.LBB2_17:
0x21f: {  	s0 =	simm.s32 $0x0  }
0x220: {  	s1 =	simm.s32 $0x1E00;
	s2 =	rddreg [dreg:$0x1];
	s30 =	simm.s32 $0x3  }
0x221: {  	[hbm4b:s2+s0] =	stream.linear.scatter [tilespmem:s1], [sflag:$0x3], $0x180, $0x38;
	[tilespmem:$0xB780] =	vst v63  }
0x222: {  	_ =	swait.ge [sflag:s30], $0x180  }
0x223: {  	[sflag:s30] =	ssyncset.done $0x0  }
0x224: {  	s31 =	simm.s32 $0x1F80;
	s3 =	rddreg [dreg:$0x3];
	[sflag:s30] =	ssyncadd.s32 $0xFFFFFE80  }
0x225: {  	[hbm4b:s3+s0] =	stream.linear.scatter [tilespmem:s31], [sflag:$0x3], $0x9600, $0x38;
	[tilespmem:$0xB780] =	vst v63  }
0x226: {  	_ =	swait.ge [sflag:s30], $0x9600  }
0x227: {  	[sflag:s30] =	ssyncset.done $0x0  }
0x228: {  	[sflag:s30] =	ssyncadd.s32 $0xFFFF6A00  }
.LBB2_18:
0x229: {  	_ =	sfence.sel $0x180000  }
0x22a: {  	[bflag:$0x0] =	sbarrier.arrive $0xFFFF  }
0x22b: {  	_ =	strace $0x90000047  }
0x22c: {  	[bflag:$0x2] =	sbarrier.arrive $0xFFFF  }
0x22d: {  	s0 =	rddreg [dreg:$0x2]  }
0x22e: {  	s0 =	sadd.s32 @!p1 $0x100000, s0  }
0x22f: {  	[sflag:s0] =	ssyncadd.tile.s32 @!p1 $0x1;
	_ =	shalt  }
.Lfunc_end2:
_tile_overlayer_lowered:
.L_overlay_start_2:
0x230: {  	(tag) =	ssettag $0x2  }
0x231: {  	s0 =	rddreg [dreg:$0x0];
	s2 =	stileid.u32  }
0x232: {  	s1 =	rddreg [dreg:$0x1];
	p0 =	sne.s32 s2, $0x0  }
0x233: {  	s3 =	rddreg [dreg:$0x2];
	[bflag:$0x3] =	sbarrier.arrive $0xFFFF;
	s2 =	simm.s32 @!p0 $0x1C01  }
0x234: {  	[timem:s3], [sflag:s2] =	dma.local @!p0 [hbm:s0], s1  }
0x235: {  	s0 =	simm.s32 @!p0 $0x1  }
0x236: {  	_ =	swait.ge @!p0 [sflag:s0], s1  }
0x237: {  	s1 =	ssub.s32 @!p0 $0x0, s1;
	[sflag:s0] =	ssyncset.done @!p0 $0x0  }
0x238: {  	[sflag:s0] =	ssyncadd.s32 @!p0 s1  }
0x239: {  	[bflag:$0x3] =	sbarrier.arrive $0xFFFF  }
0x23a: {  	_ =	shalt  }

</sc_bundles>
